<compile_context>
chip_gen: v7x
topology: tpu7x:2x2x1
jax: 0.10.2.dev20260603
libtpu: 0.0.44.dev20260713+nightly
codegen_flags: <defaults>
</compile_context>

<pallas_src>
import jax
import jax.numpy as jnp
from jax import lax
from jax.experimental import pallas as pl
from jax.experimental.pallas import tpu as pltpu, tpu_sc as plsc

B, N = 1024, 200
L = 16
NFULL = N // L
TAIL_OFF = N - L
TAIL_LO = L - (N - NFULL * L)
NCHUNK = NFULL + 1
UNROLL = 1

_LN2 = 0.6931471805599453
_SQRT2 = 1.4142135623730951
_MANT = 0x007FFFFF
_ONE_BITS = 0x3F800000


def _vlog(x):
    bits = plsc.bitcast(x, jnp.int32)
    k = lax.shift_right_logical(bits, 23) - 127
    fbits = lax.bitwise_or(lax.bitwise_and(bits, _MANT), _ONE_BITS)
    f = plsc.bitcast(fbits, jnp.float32)
    big = f > _SQRT2
    f = jnp.where(big, f * 0.5, f)
    kf = k.astype(jnp.float32) + jnp.where(big, 1.0, 0.0)
    t = (f - 1.0) / (f + 1.0)
    t2 = t * t
    p = 0.14285715 + t2 * 0.11111111
    p = 0.2 + t2 * p
    p = 0.33333334 + t2 * p
    return kf * _LN2 + (t + t * t2 * p) * 2.0


def _gather(v, idx):
    return v.at[idx].get(mode="promise_in_bounds")


def _row_scatter(scores_v, order_v, esort_v, i, lanes):
    tail_valid = lanes >= TAIL_LO
    s_vec = scores_v[i, pl.ds(0, L)]
    oc = order_v[i, pl.ds(0, L)]
    row = jnp.full((L,), i, jnp.int32)
    plsc.store_scatter(esort_v, [row, oc - 1], jnp.exp(s_vec))
    for c in range(1, NFULL):
        ch = scores_v[i, pl.ds(c * L, L)]
        oc = order_v[i, pl.ds(c * L, L)]
        plsc.store_scatter(esort_v, [row, oc - 1], jnp.exp(ch))
        s_vec = s_vec + ch
    ch = scores_v[i, pl.ds(TAIL_OFF, L)]
    oc = order_v[i, pl.ds(TAIL_OFF, L)]
    plsc.store_scatter(esort_v, [row, oc - 1], jnp.exp(ch), mask=tail_valid)
    return s_vec + jnp.where(tail_valid, ch, 0.0)


def _row_suffix(esort_v, i, lanes):
    tail_valid = lanes >= TAIL_LO
    idx_last = jnp.full((L,), L - 1, jnp.int32)

    ez = jnp.where(tail_valid, esort_v[i, pl.ds(TAIL_OFF, L)], 0.0)
    s_suf = plsc.cumsum(lax.rev(ez, (0,)))
    carry = _gather(s_suf, idx_last)
    s_suf = jnp.where(lanes < L - TAIL_LO, s_suf, 1.0)
    bits = plsc.bitcast(s_suf, jnp.int32)
    eacc = lax.shift_right_logical(bits, 23)
    rp = plsc.bitcast(lax.bitwise_or(lax.bitwise_and(bits, _MANT), _ONE_BITS),
                      jnp.float32)
    for c in range(NFULL - 1, -1, -1):
        e = esort_v[i, pl.ds(c * L, L)]
        s_suf = plsc.cumsum(lax.rev(e, (0,))) + carry
        carry = _gather(s_suf, idx_last)
        bits = plsc.bitcast(s_suf, jnp.int32)
        eacc = eacc + lax.shift_right_logical(bits, 23)
        rp = rp * plsc.bitcast(
            lax.bitwise_or(lax.bitwise_and(bits, _MANT), _ONE_BITS), jnp.float32)

    kf = (eacc - 127 * NCHUNK).astype(jnp.float32)
    return kf * _LN2 + _vlog(rp)


def _sc_body(scores_hbm, order_hbm, out_hbm, scores_v, order_v, esort_v, out_v,
             sem0, sem1):
    info = plsc.get_sparse_core_info()
    nc = info.num_cores
    wid = lax.axis_index("s") * nc + lax.axis_index("c")
    rpw = B // (nc * info.num_subcores)
    base = wid * rpw
    c0 = pltpu.async_copy(scores_hbm.at[pl.ds(base, rpw)], scores_v, sem0)
    c1 = pltpu.async_copy(order_hbm.at[pl.ds(base, rpw)], order_v, sem1)
    c0.wait()
    c1.wait()

    lanes = lax.iota(jnp.int32, L)

    @plsc.parallel_loop(0, rpw, unroll=UNROLL,
                        carry=jnp.zeros((L,), jnp.float32))
    def acc(i, a):
        a = a - _row_scatter(scores_v, order_v, esort_v, i, lanes)
        return a + _row_suffix(esort_v, i, lanes)
    tot = plsc.cumsum(acc)
    out_v[...] = jnp.where(lanes == L - 1, tot * (1.0 / (B * N)), 0.0)
    pltpu.sync_copy(out_v, out_hbm.at[wid])


def _make_sc_call():
    info = plsc.get_sparse_core_info()
    nw = info.num_cores * info.num_subcores
    rpw = B // nw
    mesh = plsc.VectorSubcoreMesh(core_axis_name="c", subcore_axis_name="s")
    return pl.kernel(
        _sc_body,
        mesh=mesh,
        compiler_params=pltpu.CompilerParams(needs_layout_passes=False),
        out_type=jax.ShapeDtypeStruct((nw, L), jnp.float32),
        scratch_types=[
            pltpu.VMEM((rpw, N), jnp.float32),
            pltpu.VMEM((rpw, N), jnp.int32),
            pltpu.VMEM((rpw, N), jnp.float32),
            pltpu.VMEM((L,), jnp.float32),
            pltpu.SemaphoreType.DMA,
            pltpu.SemaphoreType.DMA,
        ],
    )


@jax.jit
def kernel(scores, order):
    partials = _make_sc_call()(scores, order)
    return jnp.sum(partials)

# --- scband reference (transcript-rebuilt; emitter-appended) ---
"""Pipeline reference for scband-exploded-logit-loss-16887811408140 (READ-ONLY COPY).

The authoritative reference and input builder live on the scoring server;
editing this copy changes nothing except your own understanding.
"""

import jax, jax.numpy as jnp
import numpy as np

B, N = 1024, 200

def setup_inputs(seed: int = 0) -> dict:
    key = jax.random.key(seed)
    k1, k2 = jax.random.split(key)
    scores = jax.random.normal(k1, (B, N), dtype=jnp.float32)
    # order must be a per-row permutation of 1..N (1-based ranks) so that every
    # 'round' column of the exploded logit tensor has at least one unmasked item.
    keys = jax.random.split(k2, B)
    order = jax.vmap(lambda k: jax.random.permutation(k, N))(keys) + 1
    order = order.astype(jnp.int32)
    return {"scores": scores, "order": order}

def reference(scores, order):
    Bx, Nx = scores.shape
    # ExplodedLogitTransformation.forward: repeat scores along a new 'round' dim
    out = jnp.broadcast_to(scores[:, :, None], (Bx, Nx, Nx))
    # inverse_mask: item i is -inf for all rounds j >= order[i]
    fold = Bx * Nx
    mask = jnp.zeros((fold, Nx + 1), dtype=scores.dtype)
    mask = mask.at[jnp.arange(fold), order.reshape(-1)].set(-jnp.inf)
    mask = jnp.cumsum(mask, axis=-1)[:, :-1].reshape(Bx, Nx, Nx)
    matrix_of_rounds = out + mask  # [B, items, rounds]
    # nll branch: CrossEntropyLoss(input=[B, C=items, rounds], target=[B, rounds])
    target = jnp.argsort(order, axis=-1)  # item chosen at each round
    logp = jax.nn.log_softmax(matrix_of_rounds, axis=1)  # softmax over items
    picked = jnp.take_along_axis(logp, target[:, None, :], axis=1)[:, 0, :]  # [B, rounds]
    return -jnp.mean(picked)

if __name__ == "__main__":
    import jax
    _d = setup_inputs()
    print(jax.jit(kernel)(*tuple(_d.values())))

</pallas_src>

<mosaic_0001>
#map = affine_map<(d0, d1) -> (0, 0)>
module attributes {stable_mosaic.version = 14 : i64} {
  func.func @_sc_body(%arg0: i32, %arg1: i32, %arg2: memref<1024x200xf32, #tpu.memory_space<hbm>>, %arg3: memref<1024x200xi32, #tpu.memory_space<hbm>>, %arg4: memref<32x16xf32, #tpu.memory_space<hbm>>, %arg5: memref<32x200xf32, #tpu.memory_space<vmem>>, %arg6: memref<32x200xi32, #tpu.memory_space<vmem>>, %arg7: memref<32x200xf32, #tpu.memory_space<vmem>>, %arg8: memref<16xf32, #tpu.memory_space<vmem>>, %arg9: memref<!tpu.dma_semaphore, #tpu.memory_space<semaphore_mem>>, %arg10: memref<!tpu.dma_semaphore, #tpu.memory_space<semaphore_mem>>) attributes {dimension_semantics = [#tpu.dimension_semantics<core_parallel>, #tpu.dimension_semantics<subcore_parallel>], iteration_bounds = array<i64: 2, 16>, scalar_prefetch = 0 : i64, scratch_operands = 6 : i64, tpu.core_type = #tpu.core_type<sc_vector_subcore>, window_params = [{transform_indices = #map}, {transform_indices = #map}, {transform_indices = #map}]} {
    %mul3A = arith.constant 2 : i32
    %mul3A_0 = arith.muli %arg1, %mul3A : i32
    %add3A = arith.addi %mul3A_0, %arg0 : i32
    %mul3A_1 = arith.constant 32 : i32
    %mul3A_2 = arith.muli %add3A, %mul3A_1 : i32
    %dma_start3A = arith.constant 0 : i32
    %dma_start3A_3 = tpu.memref_slice %arg2[%mul3A_2, %dma_start3A] : memref<1024x200xf32, #tpu.memory_space<hbm>> -> memref<32x200xf32, #tpu.memory_space<hbm>>
    %dma_start3A_4 = arith.constant 0 : i32
    %dma_start3A_5 = tpu.memref_slice %arg2[%mul3A_2, %dma_start3A_4] : memref<1024x200xf32, #tpu.memory_space<hbm>> -> memref<32x200xf32, #tpu.memory_space<hbm>>
    tpu.enqueue_dma source(%dma_start3A_5 : memref<32x200xf32, #tpu.memory_space<hbm>>) target(%arg5 : memref<32x200xf32, #tpu.memory_space<vmem>>) target_semaphore(%arg9 : memref<!tpu.dma_semaphore, #tpu.memory_space<semaphore_mem>>)
    %dma_start3A_6 = arith.constant 0 : i32
    %dma_start3A_7 = tpu.memref_slice %arg3[%mul3A_2, %dma_start3A_6] : memref<1024x200xi32, #tpu.memory_space<hbm>> -> memref<32x200xi32, #tpu.memory_space<hbm>>
    %dma_start3A_8 = arith.constant 0 : i32
    %dma_start3A_9 = tpu.memref_slice %arg3[%mul3A_2, %dma_start3A_8] : memref<1024x200xi32, #tpu.memory_space<hbm>> -> memref<32x200xi32, #tpu.memory_space<hbm>>
    tpu.enqueue_dma source(%dma_start3A_9 : memref<32x200xi32, #tpu.memory_space<hbm>>) target(%arg6 : memref<32x200xi32, #tpu.memory_space<vmem>>) target_semaphore(%arg10 : memref<!tpu.dma_semaphore, #tpu.memory_space<semaphore_mem>>)
    %dma_wait3A = arith.constant 0 : i32
    %dma_wait3A_10 = tpu.memref_slice %arg2[%mul3A_2, %dma_wait3A] : memref<1024x200xf32, #tpu.memory_space<hbm>> -> memref<32x200xf32, #tpu.memory_space<hbm>>
    %dma_wait3A_11 = arith.constant 0 : i32
    %dma_wait3A_12 = tpu.memref_slice %arg2[%mul3A_2, %dma_wait3A_11] : memref<1024x200xf32, #tpu.memory_space<hbm>> -> memref<32x200xf32, #tpu.memory_space<hbm>>
    tpu.wait_dma2 semaphore(%arg9 : memref<!tpu.dma_semaphore, #tpu.memory_space<semaphore_mem>>) src(%dma_wait3A_12 : memref<32x200xf32, #tpu.memory_space<hbm>>) dst(%arg5 : memref<32x200xf32, #tpu.memory_space<vmem>>)
    %dma_wait3A_13 = arith.constant 0 : i32
    %dma_wait3A_14 = tpu.memref_slice %arg3[%mul3A_2, %dma_wait3A_13] : memref<1024x200xi32, #tpu.memory_space<hbm>> -> memref<32x200xi32, #tpu.memory_space<hbm>>
    %dma_wait3A_15 = arith.constant 0 : i32
    %dma_wait3A_16 = tpu.memref_slice %arg3[%mul3A_2, %dma_wait3A_15] : memref<1024x200xi32, #tpu.memory_space<hbm>> -> memref<32x200xi32, #tpu.memory_space<hbm>>
    tpu.wait_dma2 semaphore(%arg10 : memref<!tpu.dma_semaphore, #tpu.memory_space<semaphore_mem>>) src(%dma_wait3A_16 : memref<32x200xi32, #tpu.memory_space<hbm>>) dst(%arg6 : memref<32x200xi32, #tpu.memory_space<vmem>>)
    %iota3A = tpu.iota {dimensions = array<i32: 0>} : vector<16xi32>
    %broadcast_in_dim3A = arith.constant 0.000000e+00 : f32
    %broadcast_in_dim3A_17 = vector.broadcast %broadcast_in_dim3A : f32 to vector<16xf32>
    %parallel_loop3A = arith.constant 0 : i32
    %parallel_loop3A_18 = arith.constant 32 : i32
    %parallel_loop3A_19 = arith.constant 1 : i32
    %parallel_loop3A_20 = scf.for %parallel_loop3A_30 = %parallel_loop3A to %parallel_loop3A_18 step %parallel_loop3A_19 iter_args(%parallel_loop3A_31 = %broadcast_in_dim3A_17) -> (vector<16xf32>)  : i32 {
      %parallel_loop3A_32 = arith.constant 8 : i32
      %parallel_loop3A_33 = vector.broadcast %parallel_loop3A_32 : i32 to vector<16xi32>
      %parallel_loop3A_34 = arith.cmpi sge, %iota3A, %parallel_loop3A_33 : vector<16xi32>
      %parallel_loop3A_35 = arith.index_cast %parallel_loop3A_30 : i32 to index
      %parallel_loop3A_36 = arith.constant 0 : index
      %parallel_loop3A_37 = tpu.vector_load %arg5[%parallel_loop3A_35, %parallel_loop3A_36] {strides = array<i32>} : memref<32x200xf32, #tpu.memory_space<vmem>>, vector<16xf32>,
      %parallel_loop3A_38 = arith.index_cast %parallel_loop3A_30 : i32 to index
      %parallel_loop3A_39 = arith.constant 0 : index
      %parallel_loop3A_40 = tpu.vector_load %arg6[%parallel_loop3A_38, %parallel_loop3A_39] {strides = array<i32>} : memref<32x200xi32, #tpu.memory_space<vmem>>, vector<16xi32>,
      %parallel_loop3A_41 = vector.broadcast %parallel_loop3A_30 : i32 to vector<16xi32>
      %parallel_loop3A_42 = arith.constant 1 : i32
      %parallel_loop3A_43 = vector.broadcast %parallel_loop3A_42 : i32 to vector<16xi32>
      %parallel_loop3A_44 = arith.subi %parallel_loop3A_40, %parallel_loop3A_43 : vector<16xi32>
      %parallel_loop3A_45 = math.exp %parallel_loop3A_37 : vector<16xf32>
      tpu.vector_store_idx %arg7[%parallel_loop3A_41, %parallel_loop3A_44], %parallel_loop3A_45 : memref<32x200xf32, #tpu.memory_space<vmem>>[vector<16xi32>, vector<16xi32>], vector<16xf32>,
      %parallel_loop3A_46 = arith.index_cast %parallel_loop3A_30 : i32 to index
      %parallel_loop3A_47 = arith.constant 16 : index
      %parallel_loop3A_48 = tpu.vector_load %arg5[%parallel_loop3A_46, %parallel_loop3A_47] {strides = array<i32>} : memref<32x200xf32, #tpu.memory_space<vmem>>, vector<16xf32>,
      %parallel_loop3A_49 = arith.index_cast %parallel_loop3A_30 : i32 to index
      %parallel_loop3A_50 = arith.constant 16 : index
      %parallel_loop3A_51 = tpu.vector_load %arg6[%parallel_loop3A_49, %parallel_loop3A_50] {strides = array<i32>} : memref<32x200xi32, #tpu.memory_space<vmem>>, vector<16xi32>,
      %parallel_loop3A_52 = arith.constant 1 : i32
      %parallel_loop3A_53 = vector.broadcast %parallel_loop3A_52 : i32 to vector<16xi32>
      %parallel_loop3A_54 = arith.subi %parallel_loop3A_51, %parallel_loop3A_53 : vector<16xi32>
      %parallel_loop3A_55 = math.exp %parallel_loop3A_48 : vector<16xf32>
      tpu.vector_store_idx %arg7[%parallel_loop3A_41, %parallel_loop3A_54], %parallel_loop3A_55 : memref<32x200xf32, #tpu.memory_space<vmem>>[vector<16xi32>, vector<16xi32>], vector<16xf32>,
      %parallel_loop3A_56 = arith.addf %parallel_loop3A_37, %parallel_loop3A_48 : vector<16xf32>
      %parallel_loop3A_57 = arith.index_cast %parallel_loop3A_30 : i32 to index
      %parallel_loop3A_58 = arith.constant 32 : index
      %parallel_loop3A_59 = tpu.vector_load %arg5[%parallel_loop3A_57, %parallel_loop3A_58] {strides = array<i32>} : memref<32x200xf32, #tpu.memory_space<vmem>>, vector<16xf32>,
      %parallel_loop3A_60 = arith.index_cast %parallel_loop3A_30 : i32 to index
      %parallel_loop3A_61 = arith.constant 32 : index
      %parallel_loop3A_62 = tpu.vector_load %arg6[%parallel_loop3A_60, %parallel_loop3A_61] {strides = array<i32>} : memref<32x200xi32, #tpu.memory_space<vmem>>, vector<16xi32>,
      %parallel_loop3A_63 = arith.constant 1 : i32
      %parallel_loop3A_64 = vector.broadcast %parallel_loop3A_63 : i32 to vector<16xi32>
      %parallel_loop3A_65 = arith.subi %parallel_loop3A_62, %parallel_loop3A_64 : vector<16xi32>
      %parallel_loop3A_66 = math.exp %parallel_loop3A_59 : vector<16xf32>
      tpu.vector_store_idx %arg7[%parallel_loop3A_41, %parallel_loop3A_65], %parallel_loop3A_66 : memref<32x200xf32, #tpu.memory_space<vmem>>[vector<16xi32>, vector<16xi32>], vector<16xf32>,
      %parallel_loop3A_67 = arith.addf %parallel_loop3A_56, %parallel_loop3A_59 : vector<16xf32>
      %parallel_loop3A_68 = arith.index_cast %parallel_loop3A_30 : i32 to index
      %parallel_loop3A_69 = arith.constant 48 : index
      %parallel_loop3A_70 = tpu.vector_load %arg5[%parallel_loop3A_68, %parallel_loop3A_69] {strides = array<i32>} : memref<32x200xf32, #tpu.memory_space<vmem>>, vector<16xf32>,
      %parallel_loop3A_71 = arith.index_cast %parallel_loop3A_30 : i32 to index
      %parallel_loop3A_72 = arith.constant 48 : index
      %parallel_loop3A_73 = tpu.vector_load %arg6[%parallel_loop3A_71, %parallel_loop3A_72] {strides = array<i32>} : memref<32x200xi32, #tpu.memory_space<vmem>>, vector<16xi32>,
      %parallel_loop3A_74 = arith.constant 1 : i32
      %parallel_loop3A_75 = vector.broadcast %parallel_loop3A_74 : i32 to vector<16xi32>
      %parallel_loop3A_76 = arith.subi %parallel_loop3A_73, %parallel_loop3A_75 : vector<16xi32>
      %parallel_loop3A_77 = math.exp %parallel_loop3A_70 : vector<16xf32>
      tpu.vector_store_idx %arg7[%parallel_loop3A_41, %parallel_loop3A_76], %parallel_loop3A_77 : memref<32x200xf32, #tpu.memory_space<vmem>>[vector<16xi32>, vector<16xi32>], vector<16xf32>,
      %parallel_loop3A_78 = arith.addf %parallel_loop3A_67, %parallel_loop3A_70 : vector<16xf32>
      %parallel_loop3A_79 = arith.index_cast %parallel_loop3A_30 : i32 to index
      %parallel_loop3A_80 = arith.constant 64 : index
      %parallel_loop3A_81 = tpu.vector_load %arg5[%parallel_loop3A_79, %parallel_loop3A_80] {strides = array<i32>} : memref<32x200xf32, #tpu.memory_space<vmem>>, vector<16xf32>,
      %parallel_loop3A_82 = arith.index_cast %parallel_loop3A_30 : i32 to index
      %parallel_loop3A_83 = arith.constant 64 : index
      %parallel_loop3A_84 = tpu.vector_load %arg6[%parallel_loop3A_82, %parallel_loop3A_83] {strides = array<i32>} : memref<32x200xi32, #tpu.memory_space<vmem>>, vector<16xi32>,
      %parallel_loop3A_85 = arith.constant 1 : i32
      %parallel_loop3A_86 = vector.broadcast %parallel_loop3A_85 : i32 to vector<16xi32>
      %parallel_loop3A_87 = arith.subi %parallel_loop3A_84, %parallel_loop3A_86 : vector<16xi32>
      %parallel_loop3A_88 = math.exp %parallel_loop3A_81 : vector<16xf32>
      tpu.vector_store_idx %arg7[%parallel_loop3A_41, %parallel_loop3A_87], %parallel_loop3A_88 : memref<32x200xf32, #tpu.memory_space<vmem>>[vector<16xi32>, vector<16xi32>], vector<16xf32>,
      %parallel_loop3A_89 = arith.addf %parallel_loop3A_78, %parallel_loop3A_81 : vector<16xf32>
      %parallel_loop3A_90 = arith.index_cast %parallel_loop3A_30 : i32 to index
      %parallel_loop3A_91 = arith.constant 80 : index
      %parallel_loop3A_92 = tpu.vector_load %arg5[%parallel_loop3A_90, %parallel_loop3A_91] {strides = array<i32>} : memref<32x200xf32, #tpu.memory_space<vmem>>, vector<16xf32>,
      %parallel_loop3A_93 = arith.index_cast %parallel_loop3A_30 : i32 to index
      %parallel_loop3A_94 = arith.constant 80 : index
      %parallel_loop3A_95 = tpu.vector_load %arg6[%parallel_loop3A_93, %parallel_loop3A_94] {strides = array<i32>} : memref<32x200xi32, #tpu.memory_space<vmem>>, vector<16xi32>,
      %parallel_loop3A_96 = arith.constant 1 : i32
      %parallel_loop3A_97 = vector.broadcast %parallel_loop3A_96 : i32 to vector<16xi32>
      %parallel_loop3A_98 = arith.subi %parallel_loop3A_95, %parallel_loop3A_97 : vector<16xi32>
      %parallel_loop3A_99 = math.exp %parallel_loop3A_92 : vector<16xf32>
      tpu.vector_store_idx %arg7[%parallel_loop3A_41, %parallel_loop3A_98], %parallel_loop3A_99 : memref<32x200xf32, #tpu.memory_space<vmem>>[vector<16xi32>, vector<16xi32>], vector<16xf32>,
      %parallel_loop3A_100 = arith.addf %parallel_loop3A_89, %parallel_loop3A_92 : vector<16xf32>
      %parallel_loop3A_101 = arith.index_cast %parallel_loop3A_30 : i32 to index
      %parallel_loop3A_102 = arith.constant 96 : index
      %parallel_loop3A_103 = tpu.vector_load %arg5[%parallel_loop3A_101, %parallel_loop3A_102] {strides = array<i32>} : memref<32x200xf32, #tpu.memory_space<vmem>>, vector<16xf32>,
      %parallel_loop3A_104 = arith.index_cast %parallel_loop3A_30 : i32 to index
      %parallel_loop3A_105 = arith.constant 96 : index
      %parallel_loop3A_106 = tpu.vector_load %arg6[%parallel_loop3A_104, %parallel_loop3A_105] {strides = array<i32>} : memref<32x200xi32, #tpu.memory_space<vmem>>, vector<16xi32>,
      %parallel_loop3A_107 = arith.constant 1 : i32
      %parallel_loop3A_108 = vector.broadcast %parallel_loop3A_107 : i32 to vector<16xi32>
      %parallel_loop3A_109 = arith.subi %parallel_loop3A_106, %parallel_loop3A_108 : vector<16xi32>
      %parallel_loop3A_110 = math.exp %parallel_loop3A_103 : vector<16xf32>
      tpu.vector_store_idx %arg7[%parallel_loop3A_41, %parallel_loop3A_109], %parallel_loop3A_110 : memref<32x200xf32, #tpu.memory_space<vmem>>[vector<16xi32>, vector<16xi32>], vector<16xf32>,
      %parallel_loop3A_111 = arith.addf %parallel_loop3A_100, %parallel_loop3A_103 : vector<16xf32>
      %parallel_loop3A_112 = arith.index_cast %parallel_loop3A_30 : i32 to index
      %parallel_loop3A_113 = arith.constant 112 : index
      %parallel_loop3A_114 = tpu.vector_load %arg5[%parallel_loop3A_112, %parallel_loop3A_113] {strides = array<i32>} : memref<32x200xf32, #tpu.memory_space<vmem>>, vector<16xf32>,
      %parallel_loop3A_115 = arith.index_cast %parallel_loop3A_30 : i32 to index
      %parallel_loop3A_116 = arith.constant 112 : index
      %parallel_loop3A_117 = tpu.vector_load %arg6[%parallel_loop3A_115, %parallel_loop3A_116] {strides = array<i32>} : memref<32x200xi32, #tpu.memory_space<vmem>>, vector<16xi32>,
      %parallel_loop3A_118 = arith.constant 1 : i32
      %parallel_loop3A_119 = vector.broadcast %parallel_loop3A_118 : i32 to vector<16xi32>
      %parallel_loop3A_120 = arith.subi %parallel_loop3A_117, %parallel_loop3A_119 : vector<16xi32>
      %parallel_loop3A_121 = math.exp %parallel_loop3A_114 : vector<16xf32>
      tpu.vector_store_idx %arg7[%parallel_loop3A_41, %parallel_loop3A_120], %parallel_loop3A_121 : memref<32x200xf32, #tpu.memory_space<vmem>>[vector<16xi32>, vector<16xi32>], vector<16xf32>,
      %parallel_loop3A_122 = arith.addf %parallel_loop3A_111, %parallel_loop3A_114 : vector<16xf32>
      %parallel_loop3A_123 = arith.index_cast %parallel_loop3A_30 : i32 to index
      %parallel_loop3A_124 = arith.constant 128 : index
      %parallel_loop3A_125 = tpu.vector_load %arg5[%parallel_loop3A_123, %parallel_loop3A_124] {strides = array<i32>} : memref<32x200xf32, #tpu.memory_space<vmem>>, vector<16xf32>,
      %parallel_loop3A_126 = arith.index_cast %parallel_loop3A_30 : i32 to index
      %parallel_loop3A_127 = arith.constant 128 : index
      %parallel_loop3A_128 = tpu.vector_load %arg6[%parallel_loop3A_126, %parallel_loop3A_127] {strides = array<i32>} : memref<32x200xi32, #tpu.memory_space<vmem>>, vector<16xi32>,
      %parallel_loop3A_129 = arith.constant 1 : i32
      %parallel_loop3A_130 = vector.broadcast %parallel_loop3A_129 : i32 to vector<16xi32>
      %parallel_loop3A_131 = arith.subi %parallel_loop3A_128, %parallel_loop3A_130 : vector<16xi32>
      %parallel_loop3A_132 = math.exp %parallel_loop3A_125 : vector<16xf32>
      tpu.vector_store_idx %arg7[%parallel_loop3A_41, %parallel_loop3A_131], %parallel_loop3A_132 : memref<32x200xf32, #tpu.memory_space<vmem>>[vector<16xi32>, vector<16xi32>], vector<16xf32>,
      %parallel_loop3A_133 = arith.addf %parallel_loop3A_122, %parallel_loop3A_125 : vector<16xf32>
      %parallel_loop3A_134 = arith.index_cast %parallel_loop3A_30 : i32 to index
      %parallel_loop3A_135 = arith.constant 144 : index
      %parallel_loop3A_136 = tpu.vector_load %arg5[%parallel_loop3A_134, %parallel_loop3A_135] {strides = array<i32>} : memref<32x200xf32, #tpu.memory_space<vmem>>, vector<16xf32>,
      %parallel_loop3A_137 = arith.index_cast %parallel_loop3A_30 : i32 to index
      %parallel_loop3A_138 = arith.constant 144 : index
      %parallel_loop3A_139 = tpu.vector_load %arg6[%parallel_loop3A_137, %parallel_loop3A_138] {strides = array<i32>} : memref<32x200xi32, #tpu.memory_space<vmem>>, vector<16xi32>,
      %parallel_loop3A_140 = arith.constant 1 : i32
      %parallel_loop3A_141 = vector.broadcast %parallel_loop3A_140 : i32 to vector<16xi32>
      %parallel_loop3A_142 = arith.subi %parallel_loop3A_139, %parallel_loop3A_141 : vector<16xi32>
      %parallel_loop3A_143 = math.exp %parallel_loop3A_136 : vector<16xf32>
      tpu.vector_store_idx %arg7[%parallel_loop3A_41, %parallel_loop3A_142], %parallel_loop3A_143 : memref<32x200xf32, #tpu.memory_space<vmem>>[vector<16xi32>, vector<16xi32>], vector<16xf32>,
      %parallel_loop3A_144 = arith.addf %parallel_loop3A_133, %parallel_loop3A_136 : vector<16xf32>
      %parallel_loop3A_145 = arith.index_cast %parallel_loop3A_30 : i32 to index
      %parallel_loop3A_146 = arith.constant 160 : index
      %parallel_loop3A_147 = tpu.vector_load %arg5[%parallel_loop3A_145, %parallel_loop3A_146] {strides = array<i32>} : memref<32x200xf32, #tpu.memory_space<vmem>>, vector<16xf32>,
      %parallel_loop3A_148 = arith.index_cast %parallel_loop3A_30 : i32 to index
      %parallel_loop3A_149 = arith.constant 160 : index
      %parallel_loop3A_150 = tpu.vector_load %arg6[%parallel_loop3A_148, %parallel_loop3A_149] {strides = array<i32>} : memref<32x200xi32, #tpu.memory_space<vmem>>, vector<16xi32>,
      %parallel_loop3A_151 = arith.constant 1 : i32
      %parallel_loop3A_152 = vector.broadcast %parallel_loop3A_151 : i32 to vector<16xi32>
      %parallel_loop3A_153 = arith.subi %parallel_loop3A_150, %parallel_loop3A_152 : vector<16xi32>
      %parallel_loop3A_154 = math.exp %parallel_loop3A_147 : vector<16xf32>
      tpu.vector_store_idx %arg7[%parallel_loop3A_41, %parallel_loop3A_153], %parallel_loop3A_154 : memref<32x200xf32, #tpu.memory_space<vmem>>[vector<16xi32>, vector<16xi32>], vector<16xf32>,
      %parallel_loop3A_155 = arith.addf %parallel_loop3A_144, %parallel_loop3A_147 : vector<16xf32>
      %parallel_loop3A_156 = arith.index_cast %parallel_loop3A_30 : i32 to index
      %parallel_loop3A_157 = arith.constant 176 : index
      %parallel_loop3A_158 = tpu.vector_load %arg5[%parallel_loop3A_156, %parallel_loop3A_157] {strides = array<i32>} : memref<32x200xf32, #tpu.memory_space<vmem>>, vector<16xf32>,
      %parallel_loop3A_159 = arith.index_cast %parallel_loop3A_30 : i32 to index
      %parallel_loop3A_160 = arith.constant 176 : index
      %parallel_loop3A_161 = tpu.vector_load %arg6[%parallel_loop3A_159, %parallel_loop3A_160] {strides = array<i32>} : memref<32x200xi32, #tpu.memory_space<vmem>>, vector<16xi32>,
      %parallel_loop3A_162 = arith.constant 1 : i32
      %parallel_loop3A_163 = vector.broadcast %parallel_loop3A_162 : i32 to vector<16xi32>
      %parallel_loop3A_164 = arith.subi %parallel_loop3A_161, %parallel_loop3A_163 : vector<16xi32>
      %parallel_loop3A_165 = math.exp %parallel_loop3A_158 : vector<16xf32>
      tpu.vector_store_idx %arg7[%parallel_loop3A_41, %parallel_loop3A_164], %parallel_loop3A_165 : memref<32x200xf32, #tpu.memory_space<vmem>>[vector<16xi32>, vector<16xi32>], vector<16xf32>,
      %parallel_loop3A_166 = arith.addf %parallel_loop3A_155, %parallel_loop3A_158 : vector<16xf32>
      %parallel_loop3A_167 = arith.index_cast %parallel_loop3A_30 : i32 to index
      %parallel_loop3A_168 = arith.constant 184 : index
      %parallel_loop3A_169 = tpu.vector_load %arg5[%parallel_loop3A_167, %parallel_loop3A_168] {strides = array<i32>} : memref<32x200xf32, #tpu.memory_space<vmem>>, vector<16xf32>,
      %parallel_loop3A_170 = arith.index_cast %parallel_loop3A_30 : i32 to index
      %parallel_loop3A_171 = arith.constant 184 : index
      %parallel_loop3A_172 = tpu.vector_load %arg6[%parallel_loop3A_170, %parallel_loop3A_171] {strides = array<i32>} : memref<32x200xi32, #tpu.memory_space<vmem>>, vector<16xi32>,
      %parallel_loop3A_173 = arith.constant 1 : i32
      %parallel_loop3A_174 = vector.broadcast %parallel_loop3A_173 : i32 to vector<16xi32>
      %parallel_loop3A_175 = arith.subi %parallel_loop3A_172, %parallel_loop3A_174 : vector<16xi32>
      %parallel_loop3A_176 = math.exp %parallel_loop3A_169 : vector<16xf32>
      tpu.vector_store_idx %arg7[%parallel_loop3A_41, %parallel_loop3A_175], %parallel_loop3A_176 masked %parallel_loop3A_34 : memref<32x200xf32, #tpu.memory_space<vmem>>[vector<16xi32>, vector<16xi32>], vector<16xf32>, vector<16xi1>
      %parallel_loop3A_177 = arith.constant 0.000000e+00 : f32
      %parallel_loop3A_178 = vector.broadcast %parallel_loop3A_177 : f32 to vector<16xf32>
      %parallel_loop3A_179 = arith.select %parallel_loop3A_34, %parallel_loop3A_169, %parallel_loop3A_178 : vector<16xi1>, vector<16xf32>
      %parallel_loop3A_180 = arith.addf %parallel_loop3A_166, %parallel_loop3A_179 : vector<16xf32>
      %parallel_loop3A_181 = arith.subf %parallel_loop3A_31, %parallel_loop3A_180 : vector<16xf32>
      %parallel_loop3A_182 = arith.constant 8 : i32
      %parallel_loop3A_183 = vector.broadcast %parallel_loop3A_182 : i32 to vector<16xi32>
      %parallel_loop3A_184 = arith.cmpi sge, %iota3A, %parallel_loop3A_183 : vector<16xi32>
      %parallel_loop3A_185 = arith.constant 15 : i32
      %parallel_loop3A_186 = vector.broadcast %parallel_loop3A_185 : i32 to vector<16xi32>
      %parallel_loop3A_187 = arith.index_cast %parallel_loop3A_30 : i32 to index
      %parallel_loop3A_188 = arith.constant 184 : index
      %parallel_loop3A_189 = tpu.vector_load %arg7[%parallel_loop3A_187, %parallel_loop3A_188] {strides = array<i32>} : memref<32x200xf32, #tpu.memory_space<vmem>>, vector<16xf32>,
      %parallel_loop3A_190 = arith.constant 0.000000e+00 : f32
      %parallel_loop3A_191 = vector.broadcast %parallel_loop3A_190 : f32 to vector<16xf32>
      %parallel_loop3A_192 = arith.select %parallel_loop3A_184, %parallel_loop3A_189, %parallel_loop3A_191 : vector<16xi1>, vector<16xf32>
      %parallel_loop3A_193 = arith.constant 15 : i32
      %parallel_loop3A_194 = vector.broadcast %parallel_loop3A_193 : i32 to vector<16xi32>
      %parallel_loop3A_195 = tpu.iota {dimensions = array<i32: 0>} : vector<16xi32>
      %parallel_loop3A_196 = arith.subi %parallel_loop3A_194, %parallel_loop3A_195 : vector<16xi32>
      %parallel_loop3A_197 = tpu.dynamic_gather %parallel_loop3A_192[%parallel_loop3A_196] in [0] : vector<16xf32>, vector<16xi32> -> vector<16xf32>
      %parallel_loop3A_198 = arith.constant true
      %parallel_loop3A_199 = vector.broadcast %parallel_loop3A_198 : i1 to vector<16xi1>
      %parallel_loop3A_200 = tpu.scan <sum>, %parallel_loop3A_197 masked %parallel_loop3A_199 : vector<16xf32>, vector<16xi1> -> vector<16xf32>
      %parallel_loop3A_201 = arith.constant 0 : i32
      %parallel_loop3A_202 = vector.broadcast %parallel_loop3A_201 : i32 to vector<16xi32>
      %parallel_loop3A_203 = arith.cmpi slt, %parallel_loop3A_186, %parallel_loop3A_202 : vector<16xi32>
      %parallel_loop3A_204 = arith.constant 16 : i32
      %parallel_loop3A_205 = vector.broadcast %parallel_loop3A_204 : i32 to vector<16xi32>
      %parallel_loop3A_206 = arith.addi %parallel_loop3A_186, %parallel_loop3A_205 : vector<16xi32>
      %parallel_loop3A_207 = arith.select %parallel_loop3A_203, %parallel_loop3A_206, %parallel_loop3A_186 : vector<16xi1>, vector<16xi32>
      %parallel_loop3A_208 = vector.shape_cast %parallel_loop3A_207 : vector<16xi32> to vector<16x1xi32>
      %parallel_loop3A_209 = vector.shape_cast %parallel_loop3A_208 : vector<16x1xi32> to vector<16xi32>
      %parallel_loop3A_210 = tpu.dynamic_gather %parallel_loop3A_200[%parallel_loop3A_209] in [0] : vector<16xf32>, vector<16xi32> -> vector<16xf32>
      %parallel_loop3A_211 = arith.constant 8 : i32
      %parallel_loop3A_212 = vector.broadcast %parallel_loop3A_211 : i32 to vector<16xi32>
      %parallel_loop3A_213 = arith.cmpi slt, %iota3A, %parallel_loop3A_212 : vector<16xi32>
      %parallel_loop3A_214 = arith.constant 1.000000e+00 : f32
      %parallel_loop3A_215 = vector.broadcast %parallel_loop3A_214 : f32 to vector<16xf32>
      %parallel_loop3A_216 = arith.select %parallel_loop3A_213, %parallel_loop3A_200, %parallel_loop3A_215 : vector<16xi1>, vector<16xf32>
      %parallel_loop3A_217 = vector.bitcast %parallel_loop3A_216 : vector<16xf32> to vector<16xi32>
      %parallel_loop3A_218 = arith.constant 23 : i32
      %parallel_loop3A_219 = vector.broadcast %parallel_loop3A_218 : i32 to vector<16xi32>
      %parallel_loop3A_220 = arith.shrui %parallel_loop3A_217, %parallel_loop3A_219 : vector<16xi32>
      %parallel_loop3A_221 = arith.constant 8388607 : i32
      %parallel_loop3A_222 = vector.broadcast %parallel_loop3A_221 : i32 to vector<16xi32>
      %parallel_loop3A_223 = arith.andi %parallel_loop3A_217, %parallel_loop3A_222 : vector<16xi32>
      %parallel_loop3A_224 = arith.constant 1065353216 : i32
      %parallel_loop3A_225 = vector.broadcast %parallel_loop3A_224 : i32 to vector<16xi32>
      %parallel_loop3A_226 = arith.ori %parallel_loop3A_223, %parallel_loop3A_225 : vector<16xi32>
      %parallel_loop3A_227 = vector.bitcast %parallel_loop3A_226 : vector<16xi32> to vector<16xf32>
      %parallel_loop3A_228 = arith.index_cast %parallel_loop3A_30 : i32 to index
      %parallel_loop3A_229 = arith.constant 176 : index
      %parallel_loop3A_230 = tpu.vector_load %arg7[%parallel_loop3A_228, %parallel_loop3A_229] {strides = array<i32>} : memref<32x200xf32, #tpu.memory_space<vmem>>, vector<16xf32>,
      %parallel_loop3A_231 = arith.constant 15 : i32
      %parallel_loop3A_232 = vector.broadcast %parallel_loop3A_231 : i32 to vector<16xi32>
      %parallel_loop3A_233 = tpu.iota {dimensions = array<i32: 0>} : vector<16xi32>
      %parallel_loop3A_234 = arith.subi %parallel_loop3A_232, %parallel_loop3A_233 : vector<16xi32>
      %parallel_loop3A_235 = tpu.dynamic_gather %parallel_loop3A_230[%parallel_loop3A_234] in [0] : vector<16xf32>, vector<16xi32> -> vector<16xf32>
      %parallel_loop3A_236 = arith.constant true
      %parallel_loop3A_237 = vector.broadcast %parallel_loop3A_236 : i1 to vector<16xi1>
      %parallel_loop3A_238 = tpu.scan <sum>, %parallel_loop3A_235 masked %parallel_loop3A_237 : vector<16xf32>, vector<16xi1> -> vector<16xf32>
      %parallel_loop3A_239 = arith.addf %parallel_loop3A_238, %parallel_loop3A_210 : vector<16xf32>
      %parallel_loop3A_240 = arith.constant 0 : i32
      %parallel_loop3A_241 = vector.broadcast %parallel_loop3A_240 : i32 to vector<16xi32>
      %parallel_loop3A_242 = arith.cmpi slt, %parallel_loop3A_186, %parallel_loop3A_241 : vector<16xi32>
      %parallel_loop3A_243 = arith.constant 16 : i32
      %parallel_loop3A_244 = vector.broadcast %parallel_loop3A_243 : i32 to vector<16xi32>
      %parallel_loop3A_245 = arith.addi %parallel_loop3A_186, %parallel_loop3A_244 : vector<16xi32>
      %parallel_loop3A_246 = arith.select %parallel_loop3A_242, %parallel_loop3A_245, %parallel_loop3A_186 : vector<16xi1>, vector<16xi32>
      %parallel_loop3A_247 = vector.shape_cast %parallel_loop3A_246 : vector<16xi32> to vector<16x1xi32>
      %parallel_loop3A_248 = vector.shape_cast %parallel_loop3A_247 : vector<16x1xi32> to vector<16xi32>
      %parallel_loop3A_249 = tpu.dynamic_gather %parallel_loop3A_239[%parallel_loop3A_248] in [0] : vector<16xf32>, vector<16xi32> -> vector<16xf32>
      %parallel_loop3A_250 = vector.bitcast %parallel_loop3A_239 : vector<16xf32> to vector<16xi32>
      %parallel_loop3A_251 = arith.constant 23 : i32
      %parallel_loop3A_252 = vector.broadcast %parallel_loop3A_251 : i32 to vector<16xi32>
      %parallel_loop3A_253 = arith.shrui %parallel_loop3A_250, %parallel_loop3A_252 : vector<16xi32>
      %parallel_loop3A_254 = arith.addi %parallel_loop3A_220, %parallel_loop3A_253 : vector<16xi32>
      %parallel_loop3A_255 = arith.constant 8388607 : i32
      %parallel_loop3A_256 = vector.broadcast %parallel_loop3A_255 : i32 to vector<16xi32>
      %parallel_loop3A_257 = arith.andi %parallel_loop3A_250, %parallel_loop3A_256 : vector<16xi32>
      %parallel_loop3A_258 = arith.constant 1065353216 : i32
      %parallel_loop3A_259 = vector.broadcast %parallel_loop3A_258 : i32 to vector<16xi32>
      %parallel_loop3A_260 = arith.ori %parallel_loop3A_257, %parallel_loop3A_259 : vector<16xi32>
      %parallel_loop3A_261 = vector.bitcast %parallel_loop3A_260 : vector<16xi32> to vector<16xf32>
      %parallel_loop3A_262 = arith.mulf %parallel_loop3A_227, %parallel_loop3A_261 : vector<16xf32>
      %parallel_loop3A_263 = arith.index_cast %parallel_loop3A_30 : i32 to index
      %parallel_loop3A_264 = arith.constant 160 : index
      %parallel_loop3A_265 = tpu.vector_load %arg7[%parallel_loop3A_263, %parallel_loop3A_264] {strides = array<i32>} : memref<32x200xf32, #tpu.memory_space<vmem>>, vector<16xf32>,
      %parallel_loop3A_266 = arith.constant 15 : i32
      %parallel_loop3A_267 = vector.broadcast %parallel_loop3A_266 : i32 to vector<16xi32>
      %parallel_loop3A_268 = tpu.iota {dimensions = array<i32: 0>} : vector<16xi32>
      %parallel_loop3A_269 = arith.subi %parallel_loop3A_267, %parallel_loop3A_268 : vector<16xi32>
      %parallel_loop3A_270 = tpu.dynamic_gather %parallel_loop3A_265[%parallel_loop3A_269] in [0] : vector<16xf32>, vector<16xi32> -> vector<16xf32>
      %parallel_loop3A_271 = arith.constant true
      %parallel_loop3A_272 = vector.broadcast %parallel_loop3A_271 : i1 to vector<16xi1>
      %parallel_loop3A_273 = tpu.scan <sum>, %parallel_loop3A_270 masked %parallel_loop3A_272 : vector<16xf32>, vector<16xi1> -> vector<16xf32>
      %parallel_loop3A_274 = arith.addf %parallel_loop3A_273, %parallel_loop3A_249 : vector<16xf32>
      %parallel_loop3A_275 = arith.constant 0 : i32
      %parallel_loop3A_276 = vector.broadcast %parallel_loop3A_275 : i32 to vector<16xi32>
      %parallel_loop3A_277 = arith.cmpi slt, %parallel_loop3A_186, %parallel_loop3A_276 : vector<16xi32>
      %parallel_loop3A_278 = arith.constant 16 : i32
      %parallel_loop3A_279 = vector.broadcast %parallel_loop3A_278 : i32 to vector<16xi32>
      %parallel_loop3A_280 = arith.addi %parallel_loop3A_186, %parallel_loop3A_279 : vector<16xi32>
      %parallel_loop3A_281 = arith.select %parallel_loop3A_277, %parallel_loop3A_280, %parallel_loop3A_186 : vector<16xi1>, vector<16xi32>
      %parallel_loop3A_282 = vector.shape_cast %parallel_loop3A_281 : vector<16xi32> to vector<16x1xi32>
      %parallel_loop3A_283 = vector.shape_cast %parallel_loop3A_282 : vector<16x1xi32> to vector<16xi32>
      %parallel_loop3A_284 = tpu.dynamic_gather %parallel_loop3A_274[%parallel_loop3A_283] in [0] : vector<16xf32>, vector<16xi32> -> vector<16xf32>
      %parallel_loop3A_285 = vector.bitcast %parallel_loop3A_274 : vector<16xf32> to vector<16xi32>
      %parallel_loop3A_286 = arith.constant 23 : i32
      %parallel_loop3A_287 = vector.broadcast %parallel_loop3A_286 : i32 to vector<16xi32>
      %parallel_loop3A_288 = arith.shrui %parallel_loop3A_285, %parallel_loop3A_287 : vector<16xi32>
      %parallel_loop3A_289 = arith.addi %parallel_loop3A_254, %parallel_loop3A_288 : vector<16xi32>
      %parallel_loop3A_290 = arith.constant 8388607 : i32
      %parallel_loop3A_291 = vector.broadcast %parallel_loop3A_290 : i32 to vector<16xi32>
      %parallel_loop3A_292 = arith.andi %parallel_loop3A_285, %parallel_loop3A_291 : vector<16xi32>
      %parallel_loop3A_293 = arith.constant 1065353216 : i32
      %parallel_loop3A_294 = vector.broadcast %parallel_loop3A_293 : i32 to vector<16xi32>
      %parallel_loop3A_295 = arith.ori %parallel_loop3A_292, %parallel_loop3A_294 : vector<16xi32>
      %parallel_loop3A_296 = vector.bitcast %parallel_loop3A_295 : vector<16xi32> to vector<16xf32>
      %parallel_loop3A_297 = arith.mulf %parallel_loop3A_262, %parallel_loop3A_296 : vector<16xf32>
      %parallel_loop3A_298 = arith.index_cast %parallel_loop3A_30 : i32 to index
      %parallel_loop3A_299 = arith.constant 144 : index
      %parallel_loop3A_300 = tpu.vector_load %arg7[%parallel_loop3A_298, %parallel_loop3A_299] {strides = array<i32>} : memref<32x200xf32, #tpu.memory_space<vmem>>, vector<16xf32>,
      %parallel_loop3A_301 = arith.constant 15 : i32
      %parallel_loop3A_302 = vector.broadcast %parallel_loop3A_301 : i32 to vector<16xi32>
      %parallel_loop3A_303 = tpu.iota {dimensions = array<i32: 0>} : vector<16xi32>
      %parallel_loop3A_304 = arith.subi %parallel_loop3A_302, %parallel_loop3A_303 : vector<16xi32>
      %parallel_loop3A_305 = tpu.dynamic_gather %parallel_loop3A_300[%parallel_loop3A_304] in [0] : vector<16xf32>, vector<16xi32> -> vector<16xf32>
      %parallel_loop3A_306 = arith.constant true
      %parallel_loop3A_307 = vector.broadcast %parallel_loop3A_306 : i1 to vector<16xi1>
      %parallel_loop3A_308 = tpu.scan <sum>, %parallel_loop3A_305 masked %parallel_loop3A_307 : vector<16xf32>, vector<16xi1> -> vector<16xf32>
      %parallel_loop3A_309 = arith.addf %parallel_loop3A_308, %parallel_loop3A_284 : vector<16xf32>
      %parallel_loop3A_310 = arith.constant 0 : i32
      %parallel_loop3A_311 = vector.broadcast %parallel_loop3A_310 : i32 to vector<16xi32>
      %parallel_loop3A_312 = arith.cmpi slt, %parallel_loop3A_186, %parallel_loop3A_311 : vector<16xi32>
      %parallel_loop3A_313 = arith.constant 16 : i32
      %parallel_loop3A_314 = vector.broadcast %parallel_loop3A_313 : i32 to vector<16xi32>
      %parallel_loop3A_315 = arith.addi %parallel_loop3A_186, %parallel_loop3A_314 : vector<16xi32>
      %parallel_loop3A_316 = arith.select %parallel_loop3A_312, %parallel_loop3A_315, %parallel_loop3A_186 : vector<16xi1>, vector<16xi32>
      %parallel_loop3A_317 = vector.shape_cast %parallel_loop3A_316 : vector<16xi32> to vector<16x1xi32>
      %parallel_loop3A_318 = vector.shape_cast %parallel_loop3A_317 : vector<16x1xi32> to vector<16xi32>
      %parallel_loop3A_319 = tpu.dynamic_gather %parallel_loop3A_309[%parallel_loop3A_318] in [0] : vector<16xf32>, vector<16xi32> -> vector<16xf32>
      %parallel_loop3A_320 = vector.bitcast %parallel_loop3A_309 : vector<16xf32> to vector<16xi32>
      %parallel_loop3A_321 = arith.constant 23 : i32
      %parallel_loop3A_322 = vector.broadcast %parallel_loop3A_321 : i32 to vector<16xi32>
      %parallel_loop3A_323 = arith.shrui %parallel_loop3A_320, %parallel_loop3A_322 : vector<16xi32>
      %parallel_loop3A_324 = arith.addi %parallel_loop3A_289, %parallel_loop3A_323 : vector<16xi32>
      %parallel_loop3A_325 = arith.constant 8388607 : i32
      %parallel_loop3A_326 = vector.broadcast %parallel_loop3A_325 : i32 to vector<16xi32>
      %parallel_loop3A_327 = arith.andi %parallel_loop3A_320, %parallel_loop3A_326 : vector<16xi32>
      %parallel_loop3A_328 = arith.constant 1065353216 : i32
      %parallel_loop3A_329 = vector.broadcast %parallel_loop3A_328 : i32 to vector<16xi32>
      %parallel_loop3A_330 = arith.ori %parallel_loop3A_327, %parallel_loop3A_329 : vector<16xi32>
      %parallel_loop3A_331 = vector.bitcast %parallel_loop3A_330 : vector<16xi32> to vector<16xf32>
      %parallel_loop3A_332 = arith.mulf %parallel_loop3A_297, %parallel_loop3A_331 : vector<16xf32>
      %parallel_loop3A_333 = arith.index_cast %parallel_loop3A_30 : i32 to index
      %parallel_loop3A_334 = arith.constant 128 : index
      %parallel_loop3A_335 = tpu.vector_load %arg7[%parallel_loop3A_333, %parallel_loop3A_334] {strides = array<i32>} : memref<32x200xf32, #tpu.memory_space<vmem>>, vector<16xf32>,
      %parallel_loop3A_336 = arith.constant 15 : i32
      %parallel_loop3A_337 = vector.broadcast %parallel_loop3A_336 : i32 to vector<16xi32>
      %parallel_loop3A_338 = tpu.iota {dimensions = array<i32: 0>} : vector<16xi32>
      %parallel_loop3A_339 = arith.subi %parallel_loop3A_337, %parallel_loop3A_338 : vector<16xi32>
      %parallel_loop3A_340 = tpu.dynamic_gather %parallel_loop3A_335[%parallel_loop3A_339] in [0] : vector<16xf32>, vector<16xi32> -> vector<16xf32>
      %parallel_loop3A_341 = arith.constant true
      %parallel_loop3A_342 = vector.broadcast %parallel_loop3A_341 : i1 to vector<16xi1>
      %parallel_loop3A_343 = tpu.scan <sum>, %parallel_loop3A_340 masked %parallel_loop3A_342 : vector<16xf32>, vector<16xi1> -> vector<16xf32>
      %parallel_loop3A_344 = arith.addf %parallel_loop3A_343, %parallel_loop3A_319 : vector<16xf32>
      %parallel_loop3A_345 = arith.constant 0 : i32
      %parallel_loop3A_346 = vector.broadcast %parallel_loop3A_345 : i32 to vector<16xi32>
      %parallel_loop3A_347 = arith.cmpi slt, %parallel_loop3A_186, %parallel_loop3A_346 : vector<16xi32>
      %parallel_loop3A_348 = arith.constant 16 : i32
      %parallel_loop3A_349 = vector.broadcast %parallel_loop3A_348 : i32 to vector<16xi32>
      %parallel_loop3A_350 = arith.addi %parallel_loop3A_186, %parallel_loop3A_349 : vector<16xi32>
      %parallel_loop3A_351 = arith.select %parallel_loop3A_347, %parallel_loop3A_350, %parallel_loop3A_186 : vector<16xi1>, vector<16xi32>
      %parallel_loop3A_352 = vector.shape_cast %parallel_loop3A_351 : vector<16xi32> to vector<16x1xi32>
      %parallel_loop3A_353 = vector.shape_cast %parallel_loop3A_352 : vector<16x1xi32> to vector<16xi32>
      %parallel_loop3A_354 = tpu.dynamic_gather %parallel_loop3A_344[%parallel_loop3A_353] in [0] : vector<16xf32>, vector<16xi32> -> vector<16xf32>
      %parallel_loop3A_355 = vector.bitcast %parallel_loop3A_344 : vector<16xf32> to vector<16xi32>
      %parallel_loop3A_356 = arith.constant 23 : i32
      %parallel_loop3A_357 = vector.broadcast %parallel_loop3A_356 : i32 to vector<16xi32>
      %parallel_loop3A_358 = arith.shrui %parallel_loop3A_355, %parallel_loop3A_357 : vector<16xi32>
      %parallel_loop3A_359 = arith.addi %parallel_loop3A_324, %parallel_loop3A_358 : vector<16xi32>
      %parallel_loop3A_360 = arith.constant 8388607 : i32
      %parallel_loop3A_361 = vector.broadcast %parallel_loop3A_360 : i32 to vector<16xi32>
      %parallel_loop3A_362 = arith.andi %parallel_loop3A_355, %parallel_loop3A_361 : vector<16xi32>
      %parallel_loop3A_363 = arith.constant 1065353216 : i32
      %parallel_loop3A_364 = vector.broadcast %parallel_loop3A_363 : i32 to vector<16xi32>
      %parallel_loop3A_365 = arith.ori %parallel_loop3A_362, %parallel_loop3A_364 : vector<16xi32>
      %parallel_loop3A_366 = vector.bitcast %parallel_loop3A_365 : vector<16xi32> to vector<16xf32>
      %parallel_loop3A_367 = arith.mulf %parallel_loop3A_332, %parallel_loop3A_366 : vector<16xf32>
      %parallel_loop3A_368 = arith.index_cast %parallel_loop3A_30 : i32 to index
      %parallel_loop3A_369 = arith.constant 112 : index
      %parallel_loop3A_370 = tpu.vector_load %arg7[%parallel_loop3A_368, %parallel_loop3A_369] {strides = array<i32>} : memref<32x200xf32, #tpu.memory_space<vmem>>, vector<16xf32>,
      %parallel_loop3A_371 = arith.constant 15 : i32
      %parallel_loop3A_372 = vector.broadcast %parallel_loop3A_371 : i32 to vector<16xi32>
      %parallel_loop3A_373 = tpu.iota {dimensions = array<i32: 0>} : vector<16xi32>
      %parallel_loop3A_374 = arith.subi %parallel_loop3A_372, %parallel_loop3A_373 : vector<16xi32>
      %parallel_loop3A_375 = tpu.dynamic_gather %parallel_loop3A_370[%parallel_loop3A_374] in [0] : vector<16xf32>, vector<16xi32> -> vector<16xf32>
      %parallel_loop3A_376 = arith.constant true
      %parallel_loop3A_377 = vector.broadcast %parallel_loop3A_376 : i1 to vector<16xi1>
      %parallel_loop3A_378 = tpu.scan <sum>, %parallel_loop3A_375 masked %parallel_loop3A_377 : vector<16xf32>, vector<16xi1> -> vector<16xf32>
      %parallel_loop3A_379 = arith.addf %parallel_loop3A_378, %parallel_loop3A_354 : vector<16xf32>
      %parallel_loop3A_380 = arith.constant 0 : i32
      %parallel_loop3A_381 = vector.broadcast %parallel_loop3A_380 : i32 to vector<16xi32>
      %parallel_loop3A_382 = arith.cmpi slt, %parallel_loop3A_186, %parallel_loop3A_381 : vector<16xi32>
      %parallel_loop3A_383 = arith.constant 16 : i32
      %parallel_loop3A_384 = vector.broadcast %parallel_loop3A_383 : i32 to vector<16xi32>
      %parallel_loop3A_385 = arith.addi %parallel_loop3A_186, %parallel_loop3A_384 : vector<16xi32>
      %parallel_loop3A_386 = arith.select %parallel_loop3A_382, %parallel_loop3A_385, %parallel_loop3A_186 : vector<16xi1>, vector<16xi32>
      %parallel_loop3A_387 = vector.shape_cast %parallel_loop3A_386 : vector<16xi32> to vector<16x1xi32>
      %parallel_loop3A_388 = vector.shape_cast %parallel_loop3A_387 : vector<16x1xi32> to vector<16xi32>
      %parallel_loop3A_389 = tpu.dynamic_gather %parallel_loop3A_379[%parallel_loop3A_388] in [0] : vector<16xf32>, vector<16xi32> -> vector<16xf32>
      %parallel_loop3A_390 = vector.bitcast %parallel_loop3A_379 : vector<16xf32> to vector<16xi32>
      %parallel_loop3A_391 = arith.constant 23 : i32
      %parallel_loop3A_392 = vector.broadcast %parallel_loop3A_391 : i32 to vector<16xi32>
      %parallel_loop3A_393 = arith.shrui %parallel_loop3A_390, %parallel_loop3A_392 : vector<16xi32>
      %parallel_loop3A_394 = arith.addi %parallel_loop3A_359, %parallel_loop3A_393 : vector<16xi32>
      %parallel_loop3A_395 = arith.constant 8388607 : i32
      %parallel_loop3A_396 = vector.broadcast %parallel_loop3A_395 : i32 to vector<16xi32>
      %parallel_loop3A_397 = arith.andi %parallel_loop3A_390, %parallel_loop3A_396 : vector<16xi32>
      %parallel_loop3A_398 = arith.constant 1065353216 : i32
      %parallel_loop3A_399 = vector.broadcast %parallel_loop3A_398 : i32 to vector<16xi32>
      %parallel_loop3A_400 = arith.ori %parallel_loop3A_397, %parallel_loop3A_399 : vector<16xi32>
      %parallel_loop3A_401 = vector.bitcast %parallel_loop3A_400 : vector<16xi32> to vector<16xf32>
      %parallel_loop3A_402 = arith.mulf %parallel_loop3A_367, %parallel_loop3A_401 : vector<16xf32>
      %parallel_loop3A_403 = arith.index_cast %parallel_loop3A_30 : i32 to index
      %parallel_loop3A_404 = arith.constant 96 : index
      %parallel_loop3A_405 = tpu.vector_load %arg7[%parallel_loop3A_403, %parallel_loop3A_404] {strides = array<i32>} : memref<32x200xf32, #tpu.memory_space<vmem>>, vector<16xf32>,
      %parallel_loop3A_406 = arith.constant 15 : i32
      %parallel_loop3A_407 = vector.broadcast %parallel_loop3A_406 : i32 to vector<16xi32>
      %parallel_loop3A_408 = tpu.iota {dimensions = array<i32: 0>} : vector<16xi32>
      %parallel_loop3A_409 = arith.subi %parallel_loop3A_407, %parallel_loop3A_408 : vector<16xi32>
      %parallel_loop3A_410 = tpu.dynamic_gather %parallel_loop3A_405[%parallel_loop3A_409] in [0] : vector<16xf32>, vector<16xi32> -> vector<16xf32>
      %parallel_loop3A_411 = arith.constant true
      %parallel_loop3A_412 = vector.broadcast %parallel_loop3A_411 : i1 to vector<16xi1>
      %parallel_loop3A_413 = tpu.scan <sum>, %parallel_loop3A_410 masked %parallel_loop3A_412 : vector<16xf32>, vector<16xi1> -> vector<16xf32>
      %parallel_loop3A_414 = arith.addf %parallel_loop3A_413, %parallel_loop3A_389 : vector<16xf32>
      %parallel_loop3A_415 = arith.constant 0 : i32
      %parallel_loop3A_416 = vector.broadcast %parallel_loop3A_415 : i32 to vector<16xi32>
      %parallel_loop3A_417 = arith.cmpi slt, %parallel_loop3A_186, %parallel_loop3A_416 : vector<16xi32>
      %parallel_loop3A_418 = arith.constant 16 : i32
      %parallel_loop3A_419 = vector.broadcast %parallel_loop3A_418 : i32 to vector<16xi32>
      %parallel_loop3A_420 = arith.addi %parallel_loop3A_186, %parallel_loop3A_419 : vector<16xi32>
      %parallel_loop3A_421 = arith.select %parallel_loop3A_417, %parallel_loop3A_420, %parallel_loop3A_186 : vector<16xi1>, vector<16xi32>
      %parallel_loop3A_422 = vector.shape_cast %parallel_loop3A_421 : vector<16xi32> to vector<16x1xi32>
      %parallel_loop3A_423 = vector.shape_cast %parallel_loop3A_422 : vector<16x1xi32> to vector<16xi32>
      %parallel_loop3A_424 = tpu.dynamic_gather %parallel_loop3A_414[%parallel_loop3A_423] in [0] : vector<16xf32>, vector<16xi32> -> vector<16xf32>
      %parallel_loop3A_425 = vector.bitcast %parallel_loop3A_414 : vector<16xf32> to vector<16xi32>
      %parallel_loop3A_426 = arith.constant 23 : i32
      %parallel_loop3A_427 = vector.broadcast %parallel_loop3A_426 : i32 to vector<16xi32>
      %parallel_loop3A_428 = arith.shrui %parallel_loop3A_425, %parallel_loop3A_427 : vector<16xi32>
      %parallel_loop3A_429 = arith.addi %parallel_loop3A_394, %parallel_loop3A_428 : vector<16xi32>
      %parallel_loop3A_430 = arith.constant 8388607 : i32
      %parallel_loop3A_431 = vector.broadcast %parallel_loop3A_430 : i32 to vector<16xi32>
      %parallel_loop3A_432 = arith.andi %parallel_loop3A_425, %parallel_loop3A_431 : vector<16xi32>
      %parallel_loop3A_433 = arith.constant 1065353216 : i32
      %parallel_loop3A_434 = vector.broadcast %parallel_loop3A_433 : i32 to vector<16xi32>
      %parallel_loop3A_435 = arith.ori %parallel_loop3A_432, %parallel_loop3A_434 : vector<16xi32>
      %parallel_loop3A_436 = vector.bitcast %parallel_loop3A_435 : vector<16xi32> to vector<16xf32>
      %parallel_loop3A_437 = arith.mulf %parallel_loop3A_402, %parallel_loop3A_436 : vector<16xf32>
      %parallel_loop3A_438 = arith.index_cast %parallel_loop3A_30 : i32 to index
      %parallel_loop3A_439 = arith.constant 80 : index
      %parallel_loop3A_440 = tpu.vector_load %arg7[%parallel_loop3A_438, %parallel_loop3A_439] {strides = array<i32>} : memref<32x200xf32, #tpu.memory_space<vmem>>, vector<16xf32>,
      %parallel_loop3A_441 = arith.constant 15 : i32
      %parallel_loop3A_442 = vector.broadcast %parallel_loop3A_441 : i32 to vector<16xi32>
      %parallel_loop3A_443 = tpu.iota {dimensions = array<i32: 0>} : vector<16xi32>
      %parallel_loop3A_444 = arith.subi %parallel_loop3A_442, %parallel_loop3A_443 : vector<16xi32>
      %parallel_loop3A_445 = tpu.dynamic_gather %parallel_loop3A_440[%parallel_loop3A_444] in [0] : vector<16xf32>, vector<16xi32> -> vector<16xf32>
      %parallel_loop3A_446 = arith.constant true
      %parallel_loop3A_447 = vector.broadcast %parallel_loop3A_446 : i1 to vector<16xi1>
      %parallel_loop3A_448 = tpu.scan <sum>, %parallel_loop3A_445 masked %parallel_loop3A_447 : vector<16xf32>, vector<16xi1> -> vector<16xf32>
      %parallel_loop3A_449 = arith.addf %parallel_loop3A_448, %parallel_loop3A_424 : vector<16xf32>
      %parallel_loop3A_450 = arith.constant 0 : i32
      %parallel_loop3A_451 = vector.broadcast %parallel_loop3A_450 : i32 to vector<16xi32>
      %parallel_loop3A_452 = arith.cmpi slt, %parallel_loop3A_186, %parallel_loop3A_451 : vector<16xi32>
      %parallel_loop3A_453 = arith.constant 16 : i32
      %parallel_loop3A_454 = vector.broadcast %parallel_loop3A_453 : i32 to vector<16xi32>
      %parallel_loop3A_455 = arith.addi %parallel_loop3A_186, %parallel_loop3A_454 : vector<16xi32>
      %parallel_loop3A_456 = arith.select %parallel_loop3A_452, %parallel_loop3A_455, %parallel_loop3A_186 : vector<16xi1>, vector<16xi32>
      %parallel_loop3A_457 = vector.shape_cast %parallel_loop3A_456 : vector<16xi32> to vector<16x1xi32>
      %parallel_loop3A_458 = vector.shape_cast %parallel_loop3A_457 : vector<16x1xi32> to vector<16xi32>
      %parallel_loop3A_459 = tpu.dynamic_gather %parallel_loop3A_449[%parallel_loop3A_458] in [0] : vector<16xf32>, vector<16xi32> -> vector<16xf32>
      %parallel_loop3A_460 = vector.bitcast %parallel_loop3A_449 : vector<16xf32> to vector<16xi32>
      %parallel_loop3A_461 = arith.constant 23 : i32
      %parallel_loop3A_462 = vector.broadcast %parallel_loop3A_461 : i32 to vector<16xi32>
      %parallel_loop3A_463 = arith.shrui %parallel_loop3A_460, %parallel_loop3A_462 : vector<16xi32>
      %parallel_loop3A_464 = arith.addi %parallel_loop3A_429, %parallel_loop3A_463 : vector<16xi32>
      %parallel_loop3A_465 = arith.constant 8388607 : i32
      %parallel_loop3A_466 = vector.broadcast %parallel_loop3A_465 : i32 to vector<16xi32>
      %parallel_loop3A_467 = arith.andi %parallel_loop3A_460, %parallel_loop3A_466 : vector<16xi32>
      %parallel_loop3A_468 = arith.constant 1065353216 : i32
      %parallel_loop3A_469 = vector.broadcast %parallel_loop3A_468 : i32 to vector<16xi32>
      %parallel_loop3A_470 = arith.ori %parallel_loop3A_467, %parallel_loop3A_469 : vector<16xi32>
      %parallel_loop3A_471 = vector.bitcast %parallel_loop3A_470 : vector<16xi32> to vector<16xf32>
      %parallel_loop3A_472 = arith.mulf %parallel_loop3A_437, %parallel_loop3A_471 : vector<16xf32>
      %parallel_loop3A_473 = arith.index_cast %parallel_loop3A_30 : i32 to index
      %parallel_loop3A_474 = arith.constant 64 : index
      %parallel_loop3A_475 = tpu.vector_load %arg7[%parallel_loop3A_473, %parallel_loop3A_474] {strides = array<i32>} : memref<32x200xf32, #tpu.memory_space<vmem>>, vector<16xf32>,
      %parallel_loop3A_476 = arith.constant 15 : i32
      %parallel_loop3A_477 = vector.broadcast %parallel_loop3A_476 : i32 to vector<16xi32>
      %parallel_loop3A_478 = tpu.iota {dimensions = array<i32: 0>} : vector<16xi32>
      %parallel_loop3A_479 = arith.subi %parallel_loop3A_477, %parallel_loop3A_478 : vector<16xi32>
      %parallel_loop3A_480 = tpu.dynamic_gather %parallel_loop3A_475[%parallel_loop3A_479] in [0] : vector<16xf32>, vector<16xi32> -> vector<16xf32>
      %parallel_loop3A_481 = arith.constant true
      %parallel_loop3A_482 = vector.broadcast %parallel_loop3A_481 : i1 to vector<16xi1>
      %parallel_loop3A_483 = tpu.scan <sum>, %parallel_loop3A_480 masked %parallel_loop3A_482 : vector<16xf32>, vector<16xi1> -> vector<16xf32>
      %parallel_loop3A_484 = arith.addf %parallel_loop3A_483, %parallel_loop3A_459 : vector<16xf32>
      %parallel_loop3A_485 = arith.constant 0 : i32
      %parallel_loop3A_486 = vector.broadcast %parallel_loop3A_485 : i32 to vector<16xi32>
      %parallel_loop3A_487 = arith.cmpi slt, %parallel_loop3A_186, %parallel_loop3A_486 : vector<16xi32>
      %parallel_loop3A_488 = arith.constant 16 : i32
      %parallel_loop3A_489 = vector.broadcast %parallel_loop3A_488 : i32 to vector<16xi32>
      %parallel_loop3A_490 = arith.addi %parallel_loop3A_186, %parallel_loop3A_489 : vector<16xi32>
      %parallel_loop3A_491 = arith.select %parallel_loop3A_487, %parallel_loop3A_490, %parallel_loop3A_186 : vector<16xi1>, vector<16xi32>
      %parallel_loop3A_492 = vector.shape_cast %parallel_loop3A_491 : vector<16xi32> to vector<16x1xi32>
      %parallel_loop3A_493 = vector.shape_cast %parallel_loop3A_492 : vector<16x1xi32> to vector<16xi32>
      %parallel_loop3A_494 = tpu.dynamic_gather %parallel_loop3A_484[%parallel_loop3A_493] in [0] : vector<16xf32>, vector<16xi32> -> vector<16xf32>
      %parallel_loop3A_495 = vector.bitcast %parallel_loop3A_484 : vector<16xf32> to vector<16xi32>
      %parallel_loop3A_496 = arith.constant 23 : i32
      %parallel_loop3A_497 = vector.broadcast %parallel_loop3A_496 : i32 to vector<16xi32>
      %parallel_loop3A_498 = arith.shrui %parallel_loop3A_495, %parallel_loop3A_497 : vector<16xi32>
      %parallel_loop3A_499 = arith.addi %parallel_loop3A_464, %parallel_loop3A_498 : vector<16xi32>
      %parallel_loop3A_500 = arith.constant 8388607 : i32
      %parallel_loop3A_501 = vector.broadcast %parallel_loop3A_500 : i32 to vector<16xi32>
      %parallel_loop3A_502 = arith.andi %parallel_loop3A_495, %parallel_loop3A_501 : vector<16xi32>
      %parallel_loop3A_503 = arith.constant 1065353216 : i32
      %parallel_loop3A_504 = vector.broadcast %parallel_loop3A_503 : i32 to vector<16xi32>
      %parallel_loop3A_505 = arith.ori %parallel_loop3A_502, %parallel_loop3A_504 : vector<16xi32>
      %parallel_loop3A_506 = vector.bitcast %parallel_loop3A_505 : vector<16xi32> to vector<16xf32>
      %parallel_loop3A_507 = arith.mulf %parallel_loop3A_472, %parallel_loop3A_506 : vector<16xf32>
      %parallel_loop3A_508 = arith.index_cast %parallel_loop3A_30 : i32 to index
      %parallel_loop3A_509 = arith.constant 48 : index
      %parallel_loop3A_510 = tpu.vector_load %arg7[%parallel_loop3A_508, %parallel_loop3A_509] {strides = array<i32>} : memref<32x200xf32, #tpu.memory_space<vmem>>, vector<16xf32>,
      %parallel_loop3A_511 = arith.constant 15 : i32
      %parallel_loop3A_512 = vector.broadcast %parallel_loop3A_511 : i32 to vector<16xi32>
      %parallel_loop3A_513 = tpu.iota {dimensions = array<i32: 0>} : vector<16xi32>
      %parallel_loop3A_514 = arith.subi %parallel_loop3A_512, %parallel_loop3A_513 : vector<16xi32>
      %parallel_loop3A_515 = tpu.dynamic_gather %parallel_loop3A_510[%parallel_loop3A_514] in [0] : vector<16xf32>, vector<16xi32> -> vector<16xf32>
      %parallel_loop3A_516 = arith.constant true
      %parallel_loop3A_517 = vector.broadcast %parallel_loop3A_516 : i1 to vector<16xi1>
      %parallel_loop3A_518 = tpu.scan <sum>, %parallel_loop3A_515 masked %parallel_loop3A_517 : vector<16xf32>, vector<16xi1> -> vector<16xf32>
      %parallel_loop3A_519 = arith.addf %parallel_loop3A_518, %parallel_loop3A_494 : vector<16xf32>
      %parallel_loop3A_520 = arith.constant 0 : i32
      %parallel_loop3A_521 = vector.broadcast %parallel_loop3A_520 : i32 to vector<16xi32>
      %parallel_loop3A_522 = arith.cmpi slt, %parallel_loop3A_186, %parallel_loop3A_521 : vector<16xi32>
      %parallel_loop3A_523 = arith.constant 16 : i32
      %parallel_loop3A_524 = vector.broadcast %parallel_loop3A_523 : i32 to vector<16xi32>
      %parallel_loop3A_525 = arith.addi %parallel_loop3A_186, %parallel_loop3A_524 : vector<16xi32>
      %parallel_loop3A_526 = arith.select %parallel_loop3A_522, %parallel_loop3A_525, %parallel_loop3A_186 : vector<16xi1>, vector<16xi32>
      %parallel_loop3A_527 = vector.shape_cast %parallel_loop3A_526 : vector<16xi32> to vector<16x1xi32>
      %parallel_loop3A_528 = vector.shape_cast %parallel_loop3A_527 : vector<16x1xi32> to vector<16xi32>
      %parallel_loop3A_529 = tpu.dynamic_gather %parallel_loop3A_519[%parallel_loop3A_528] in [0] : vector<16xf32>, vector<16xi32> -> vector<16xf32>
      %parallel_loop3A_530 = vector.bitcast %parallel_loop3A_519 : vector<16xf32> to vector<16xi32>
      %parallel_loop3A_531 = arith.constant 23 : i32
      %parallel_loop3A_532 = vector.broadcast %parallel_loop3A_531 : i32 to vector<16xi32>
      %parallel_loop3A_533 = arith.shrui %parallel_loop3A_530, %parallel_loop3A_532 : vector<16xi32>
      %parallel_loop3A_534 = arith.addi %parallel_loop3A_499, %parallel_loop3A_533 : vector<16xi32>
      %parallel_loop3A_535 = arith.constant 8388607 : i32
      %parallel_loop3A_536 = vector.broadcast %parallel_loop3A_535 : i32 to vector<16xi32>
      %parallel_loop3A_537 = arith.andi %parallel_loop3A_530, %parallel_loop3A_536 : vector<16xi32>
      %parallel_loop3A_538 = arith.constant 1065353216 : i32
      %parallel_loop3A_539 = vector.broadcast %parallel_loop3A_538 : i32 to vector<16xi32>
      %parallel_loop3A_540 = arith.ori %parallel_loop3A_537, %parallel_loop3A_539 : vector<16xi32>
      %parallel_loop3A_541 = vector.bitcast %parallel_loop3A_540 : vector<16xi32> to vector<16xf32>
      %parallel_loop3A_542 = arith.mulf %parallel_loop3A_507, %parallel_loop3A_541 : vector<16xf32>
      %parallel_loop3A_543 = arith.index_cast %parallel_loop3A_30 : i32 to index
      %parallel_loop3A_544 = arith.constant 32 : index
      %parallel_loop3A_545 = tpu.vector_load %arg7[%parallel_loop3A_543, %parallel_loop3A_544] {strides = array<i32>} : memref<32x200xf32, #tpu.memory_space<vmem>>, vector<16xf32>,
      %parallel_loop3A_546 = arith.constant 15 : i32
      %parallel_loop3A_547 = vector.broadcast %parallel_loop3A_546 : i32 to vector<16xi32>
      %parallel_loop3A_548 = tpu.iota {dimensions = array<i32: 0>} : vector<16xi32>
      %parallel_loop3A_549 = arith.subi %parallel_loop3A_547, %parallel_loop3A_548 : vector<16xi32>
      %parallel_loop3A_550 = tpu.dynamic_gather %parallel_loop3A_545[%parallel_loop3A_549] in [0] : vector<16xf32>, vector<16xi32> -> vector<16xf32>
      %parallel_loop3A_551 = arith.constant true
      %parallel_loop3A_552 = vector.broadcast %parallel_loop3A_551 : i1 to vector<16xi1>
      %parallel_loop3A_553 = tpu.scan <sum>, %parallel_loop3A_550 masked %parallel_loop3A_552 : vector<16xf32>, vector<16xi1> -> vector<16xf32>
      %parallel_loop3A_554 = arith.addf %parallel_loop3A_553, %parallel_loop3A_529 : vector<16xf32>
      %parallel_loop3A_555 = arith.constant 0 : i32
      %parallel_loop3A_556 = vector.broadcast %parallel_loop3A_555 : i32 to vector<16xi32>
      %parallel_loop3A_557 = arith.cmpi slt, %parallel_loop3A_186, %parallel_loop3A_556 : vector<16xi32>
      %parallel_loop3A_558 = arith.constant 16 : i32
      %parallel_loop3A_559 = vector.broadcast %parallel_loop3A_558 : i32 to vector<16xi32>
      %parallel_loop3A_560 = arith.addi %parallel_loop3A_186, %parallel_loop3A_559 : vector<16xi32>
      %parallel_loop3A_561 = arith.select %parallel_loop3A_557, %parallel_loop3A_560, %parallel_loop3A_186 : vector<16xi1>, vector<16xi32>
      %parallel_loop3A_562 = vector.shape_cast %parallel_loop3A_561 : vector<16xi32> to vector<16x1xi32>
      %parallel_loop3A_563 = vector.shape_cast %parallel_loop3A_562 : vector<16x1xi32> to vector<16xi32>
      %parallel_loop3A_564 = tpu.dynamic_gather %parallel_loop3A_554[%parallel_loop3A_563] in [0] : vector<16xf32>, vector<16xi32> -> vector<16xf32>
      %parallel_loop3A_565 = vector.bitcast %parallel_loop3A_554 : vector<16xf32> to vector<16xi32>
      %parallel_loop3A_566 = arith.constant 23 : i32
      %parallel_loop3A_567 = vector.broadcast %parallel_loop3A_566 : i32 to vector<16xi32>
      %parallel_loop3A_568 = arith.shrui %parallel_loop3A_565, %parallel_loop3A_567 : vector<16xi32>
      %parallel_loop3A_569 = arith.addi %parallel_loop3A_534, %parallel_loop3A_568 : vector<16xi32>
      %parallel_loop3A_570 = arith.constant 8388607 : i32
      %parallel_loop3A_571 = vector.broadcast %parallel_loop3A_570 : i32 to vector<16xi32>
      %parallel_loop3A_572 = arith.andi %parallel_loop3A_565, %parallel_loop3A_571 : vector<16xi32>
      %parallel_loop3A_573 = arith.constant 1065353216 : i32
      %parallel_loop3A_574 = vector.broadcast %parallel_loop3A_573 : i32 to vector<16xi32>
      %parallel_loop3A_575 = arith.ori %parallel_loop3A_572, %parallel_loop3A_574 : vector<16xi32>
      %parallel_loop3A_576 = vector.bitcast %parallel_loop3A_575 : vector<16xi32> to vector<16xf32>
      %parallel_loop3A_577 = arith.mulf %parallel_loop3A_542, %parallel_loop3A_576 : vector<16xf32>
      %parallel_loop3A_578 = arith.index_cast %parallel_loop3A_30 : i32 to index
      %parallel_loop3A_579 = arith.constant 16 : index
      %parallel_loop3A_580 = tpu.vector_load %arg7[%parallel_loop3A_578, %parallel_loop3A_579] {strides = array<i32>} : memref<32x200xf32, #tpu.memory_space<vmem>>, vector<16xf32>,
      %parallel_loop3A_581 = arith.constant 15 : i32
      %parallel_loop3A_582 = vector.broadcast %parallel_loop3A_581 : i32 to vector<16xi32>
      %parallel_loop3A_583 = tpu.iota {dimensions = array<i32: 0>} : vector<16xi32>
      %parallel_loop3A_584 = arith.subi %parallel_loop3A_582, %parallel_loop3A_583 : vector<16xi32>
      %parallel_loop3A_585 = tpu.dynamic_gather %parallel_loop3A_580[%parallel_loop3A_584] in [0] : vector<16xf32>, vector<16xi32> -> vector<16xf32>
      %parallel_loop3A_586 = arith.constant true
      %parallel_loop3A_587 = vector.broadcast %parallel_loop3A_586 : i1 to vector<16xi1>
      %parallel_loop3A_588 = tpu.scan <sum>, %parallel_loop3A_585 masked %parallel_loop3A_587 : vector<16xf32>, vector<16xi1> -> vector<16xf32>
      %parallel_loop3A_589 = arith.addf %parallel_loop3A_588, %parallel_loop3A_564 : vector<16xf32>
      %parallel_loop3A_590 = arith.constant 0 : i32
      %parallel_loop3A_591 = vector.broadcast %parallel_loop3A_590 : i32 to vector<16xi32>
      %parallel_loop3A_592 = arith.cmpi slt, %parallel_loop3A_186, %parallel_loop3A_591 : vector<16xi32>
      %parallel_loop3A_593 = arith.constant 16 : i32
      %parallel_loop3A_594 = vector.broadcast %parallel_loop3A_593 : i32 to vector<16xi32>
      %parallel_loop3A_595 = arith.addi %parallel_loop3A_186, %parallel_loop3A_594 : vector<16xi32>
      %parallel_loop3A_596 = arith.select %parallel_loop3A_592, %parallel_loop3A_595, %parallel_loop3A_186 : vector<16xi1>, vector<16xi32>
      %parallel_loop3A_597 = vector.shape_cast %parallel_loop3A_596 : vector<16xi32> to vector<16x1xi32>
      %parallel_loop3A_598 = vector.shape_cast %parallel_loop3A_597 : vector<16x1xi32> to vector<16xi32>
      %parallel_loop3A_599 = tpu.dynamic_gather %parallel_loop3A_589[%parallel_loop3A_598] in [0] : vector<16xf32>, vector<16xi32> -> vector<16xf32>
      %parallel_loop3A_600 = vector.bitcast %parallel_loop3A_589 : vector<16xf32> to vector<16xi32>
      %parallel_loop3A_601 = arith.constant 23 : i32
      %parallel_loop3A_602 = vector.broadcast %parallel_loop3A_601 : i32 to vector<16xi32>
      %parallel_loop3A_603 = arith.shrui %parallel_loop3A_600, %parallel_loop3A_602 : vector<16xi32>
      %parallel_loop3A_604 = arith.addi %parallel_loop3A_569, %parallel_loop3A_603 : vector<16xi32>
      %parallel_loop3A_605 = arith.constant 8388607 : i32
      %parallel_loop3A_606 = vector.broadcast %parallel_loop3A_605 : i32 to vector<16xi32>
      %parallel_loop3A_607 = arith.andi %parallel_loop3A_600, %parallel_loop3A_606 : vector<16xi32>
      %parallel_loop3A_608 = arith.constant 1065353216 : i32
      %parallel_loop3A_609 = vector.broadcast %parallel_loop3A_608 : i32 to vector<16xi32>
      %parallel_loop3A_610 = arith.ori %parallel_loop3A_607, %parallel_loop3A_609 : vector<16xi32>
      %parallel_loop3A_611 = vector.bitcast %parallel_loop3A_610 : vector<16xi32> to vector<16xf32>
      %parallel_loop3A_612 = arith.mulf %parallel_loop3A_577, %parallel_loop3A_611 : vector<16xf32>
      %parallel_loop3A_613 = arith.index_cast %parallel_loop3A_30 : i32 to index
      %parallel_loop3A_614 = arith.constant 0 : index
      %parallel_loop3A_615 = tpu.vector_load %arg7[%parallel_loop3A_613, %parallel_loop3A_614] {strides = array<i32>} : memref<32x200xf32, #tpu.memory_space<vmem>>, vector<16xf32>,
      %parallel_loop3A_616 = arith.constant 15 : i32
      %parallel_loop3A_617 = vector.broadcast %parallel_loop3A_616 : i32 to vector<16xi32>
      %parallel_loop3A_618 = tpu.iota {dimensions = array<i32: 0>} : vector<16xi32>
      %parallel_loop3A_619 = arith.subi %parallel_loop3A_617, %parallel_loop3A_618 : vector<16xi32>
      %parallel_loop3A_620 = tpu.dynamic_gather %parallel_loop3A_615[%parallel_loop3A_619] in [0] : vector<16xf32>, vector<16xi32> -> vector<16xf32>
      %parallel_loop3A_621 = arith.constant true
      %parallel_loop3A_622 = vector.broadcast %parallel_loop3A_621 : i1 to vector<16xi1>
      %parallel_loop3A_623 = tpu.scan <sum>, %parallel_loop3A_620 masked %parallel_loop3A_622 : vector<16xf32>, vector<16xi1> -> vector<16xf32>
      %parallel_loop3A_624 = arith.addf %parallel_loop3A_623, %parallel_loop3A_599 : vector<16xf32>
      %parallel_loop3A_625 = arith.constant 0 : i32
      %parallel_loop3A_626 = vector.broadcast %parallel_loop3A_625 : i32 to vector<16xi32>
      %parallel_loop3A_627 = arith.cmpi slt, %parallel_loop3A_186, %parallel_loop3A_626 : vector<16xi32>
      %parallel_loop3A_628 = arith.constant 16 : i32
      %parallel_loop3A_629 = vector.broadcast %parallel_loop3A_628 : i32 to vector<16xi32>
      %parallel_loop3A_630 = arith.addi %parallel_loop3A_186, %parallel_loop3A_629 : vector<16xi32>
      %parallel_loop3A_631 = arith.select %parallel_loop3A_627, %parallel_loop3A_630, %parallel_loop3A_186 : vector<16xi1>, vector<16xi32>
      %parallel_loop3A_632 = vector.shape_cast %parallel_loop3A_631 : vector<16xi32> to vector<16x1xi32>
      %parallel_loop3A_633 = vector.shape_cast %parallel_loop3A_632 : vector<16x1xi32> to vector<16xi32>
      %parallel_loop3A_634 = tpu.dynamic_gather %parallel_loop3A_624[%parallel_loop3A_633] in [0] : vector<16xf32>, vector<16xi32> -> vector<16xf32>
      %parallel_loop3A_635 = vector.bitcast %parallel_loop3A_624 : vector<16xf32> to vector<16xi32>
      %parallel_loop3A_636 = arith.constant 23 : i32
      %parallel_loop3A_637 = vector.broadcast %parallel_loop3A_636 : i32 to vector<16xi32>
      %parallel_loop3A_638 = arith.shrui %parallel_loop3A_635, %parallel_loop3A_637 : vector<16xi32>
      %parallel_loop3A_639 = arith.addi %parallel_loop3A_604, %parallel_loop3A_638 : vector<16xi32>
      %parallel_loop3A_640 = arith.constant 8388607 : i32
      %parallel_loop3A_641 = vector.broadcast %parallel_loop3A_640 : i32 to vector<16xi32>
      %parallel_loop3A_642 = arith.andi %parallel_loop3A_635, %parallel_loop3A_641 : vector<16xi32>
      %parallel_loop3A_643 = arith.constant 1065353216 : i32
      %parallel_loop3A_644 = vector.broadcast %parallel_loop3A_643 : i32 to vector<16xi32>
      %parallel_loop3A_645 = arith.ori %parallel_loop3A_642, %parallel_loop3A_644 : vector<16xi32>
      %parallel_loop3A_646 = vector.bitcast %parallel_loop3A_645 : vector<16xi32> to vector<16xf32>
      %parallel_loop3A_647 = arith.mulf %parallel_loop3A_612, %parallel_loop3A_646 : vector<16xf32>
      %parallel_loop3A_648 = arith.constant 1651 : i32
      %parallel_loop3A_649 = vector.broadcast %parallel_loop3A_648 : i32 to vector<16xi32>
      %parallel_loop3A_650 = arith.subi %parallel_loop3A_639, %parallel_loop3A_649 : vector<16xi32>
      %parallel_loop3A_651 = arith.sitofp %parallel_loop3A_650 : vector<16xi32> to vector<16xf32>
      %parallel_loop3A_652 = arith.constant 0.693147182 : f32
      %parallel_loop3A_653 = vector.broadcast %parallel_loop3A_652 : f32 to vector<16xf32>
      %parallel_loop3A_654 = arith.mulf %parallel_loop3A_651, %parallel_loop3A_653 : vector<16xf32>
      %parallel_loop3A_655 = vector.bitcast %parallel_loop3A_647 : vector<16xf32> to vector<16xi32>
      %parallel_loop3A_656 = arith.constant 23 : i32
      %parallel_loop3A_657 = vector.broadcast %parallel_loop3A_656 : i32 to vector<16xi32>
      %parallel_loop3A_658 = arith.shrui %parallel_loop3A_655, %parallel_loop3A_657 : vector<16xi32>
      %parallel_loop3A_659 = arith.constant 127 : i32
      %parallel_loop3A_660 = vector.broadcast %parallel_loop3A_659 : i32 to vector<16xi32>
      %parallel_loop3A_661 = arith.subi %parallel_loop3A_658, %parallel_loop3A_660 : vector<16xi32>
      %parallel_loop3A_662 = arith.constant 8388607 : i32
      %parallel_loop3A_663 = vector.broadcast %parallel_loop3A_662 : i32 to vector<16xi32>
      %parallel_loop3A_664 = arith.andi %parallel_loop3A_655, %parallel_loop3A_663 : vector<16xi32>
      %parallel_loop3A_665 = arith.constant 1065353216 : i32
      %parallel_loop3A_666 = vector.broadcast %parallel_loop3A_665 : i32 to vector<16xi32>
      %parallel_loop3A_667 = arith.ori %parallel_loop3A_664, %parallel_loop3A_666 : vector<16xi32>
      %parallel_loop3A_668 = vector.bitcast %parallel_loop3A_667 : vector<16xi32> to vector<16xf32>
      %parallel_loop3A_669 = arith.constant 1.41421354 : f32
      %parallel_loop3A_670 = vector.broadcast %parallel_loop3A_669 : f32 to vector<16xf32>
      %parallel_loop3A_671 = arith.cmpf ogt, %parallel_loop3A_668, %parallel_loop3A_670 : vector<16xf32>
      %parallel_loop3A_672 = arith.constant 5.000000e-01 : f32
      %parallel_loop3A_673 = vector.broadcast %parallel_loop3A_672 : f32 to vector<16xf32>
      %parallel_loop3A_674 = arith.mulf %parallel_loop3A_668, %parallel_loop3A_673 : vector<16xf32>
      %parallel_loop3A_675 = arith.select %parallel_loop3A_671, %parallel_loop3A_674, %parallel_loop3A_668 : vector<16xi1>, vector<16xf32>
      %parallel_loop3A_676 = arith.sitofp %parallel_loop3A_661 : vector<16xi32> to vector<16xf32>
      %parallel_loop3A_677 = arith.constant 1.000000e+00 : f32
      %parallel_loop3A_678 = arith.constant 0.000000e+00 : f32
      %parallel_loop3A_679 = vector.broadcast %parallel_loop3A_677 : f32 to vector<16xf32>
      %parallel_loop3A_680 = vector.broadcast %parallel_loop3A_678 : f32 to vector<16xf32>
      %parallel_loop3A_681 = arith.select %parallel_loop3A_671, %parallel_loop3A_679, %parallel_loop3A_680 : vector<16xi1>, vector<16xf32>
      %parallel_loop3A_682 = arith.addf %parallel_loop3A_676, %parallel_loop3A_681 : vector<16xf32>
      %parallel_loop3A_683 = arith.constant 1.000000e+00 : f32
      %parallel_loop3A_684 = vector.broadcast %parallel_loop3A_683 : f32 to vector<16xf32>
      %parallel_loop3A_685 = arith.subf %parallel_loop3A_675, %parallel_loop3A_684 : vector<16xf32>
      %parallel_loop3A_686 = arith.constant 1.000000e+00 : f32
      %parallel_loop3A_687 = vector.broadcast %parallel_loop3A_686 : f32 to vector<16xf32>
      %parallel_loop3A_688 = arith.addf %parallel_loop3A_675, %parallel_loop3A_687 : vector<16xf32>
      %parallel_loop3A_689 = arith.divf %parallel_loop3A_685, %parallel_loop3A_688 : vector<16xf32>
      %parallel_loop3A_690 = arith.mulf %parallel_loop3A_689, %parallel_loop3A_689 : vector<16xf32>
      %parallel_loop3A_691 = arith.constant 0.111111112 : f32
      %parallel_loop3A_692 = vector.broadcast %parallel_loop3A_691 : f32 to vector<16xf32>
      %parallel_loop3A_693 = arith.mulf %parallel_loop3A_690, %parallel_loop3A_692 : vector<16xf32>
      %parallel_loop3A_694 = arith.constant 0.142857149 : f32
      %parallel_loop3A_695 = vector.broadcast %parallel_loop3A_694 : f32 to vector<16xf32>
      %parallel_loop3A_696 = arith.addf %parallel_loop3A_695, %parallel_loop3A_693 : vector<16xf32>
      %parallel_loop3A_697 = arith.mulf %parallel_loop3A_690, %parallel_loop3A_696 : vector<16xf32>
      %parallel_loop3A_698 = arith.constant 2.000000e-01 : f32
      %parallel_loop3A_699 = vector.broadcast %parallel_loop3A_698 : f32 to vector<16xf32>
      %parallel_loop3A_700 = arith.addf %parallel_loop3A_699, %parallel_loop3A_697 : vector<16xf32>
      %parallel_loop3A_701 = arith.mulf %parallel_loop3A_690, %parallel_loop3A_700 : vector<16xf32>
      %parallel_loop3A_702 = arith.constant 0.333333343 : f32
      %parallel_loop3A_703 = vector.broadcast %parallel_loop3A_702 : f32 to vector<16xf32>
      %parallel_loop3A_704 = arith.addf %parallel_loop3A_703, %parallel_loop3A_701 : vector<16xf32>
      %parallel_loop3A_705 = arith.constant 0.693147182 : f32
      %parallel_loop3A_706 = vector.broadcast %parallel_loop3A_705 : f32 to vector<16xf32>
      %parallel_loop3A_707 = arith.mulf %parallel_loop3A_682, %parallel_loop3A_706 : vector<16xf32>
      %parallel_loop3A_708 = arith.mulf %parallel_loop3A_689, %parallel_loop3A_690 : vector<16xf32>
      %parallel_loop3A_709 = arith.mulf %parallel_loop3A_708, %parallel_loop3A_704 : vector<16xf32>
      %parallel_loop3A_710 = arith.addf %parallel_loop3A_689, %parallel_loop3A_709 : vector<16xf32>
      %parallel_loop3A_711 = arith.constant 2.000000e+00 : f32
      %parallel_loop3A_712 = vector.broadcast %parallel_loop3A_711 : f32 to vector<16xf32>
      %parallel_loop3A_713 = arith.mulf %parallel_loop3A_710, %parallel_loop3A_712 : vector<16xf32>
      %parallel_loop3A_714 = arith.addf %parallel_loop3A_707, %parallel_loop3A_713 : vector<16xf32>
      %parallel_loop3A_715 = arith.addf %parallel_loop3A_654, %parallel_loop3A_714 : vector<16xf32>
      %parallel_loop3A_716 = arith.addf %parallel_loop3A_181, %parallel_loop3A_715 : vector<16xf32>
      scf.yield %parallel_loop3A_716 : vector<16xf32>
    } {sc.loop_unroll_factor = 1 : i64, sc.parallel_access}
    %broadcast_in_dim3A_21 = arith.constant true
    %broadcast_in_dim3A_22 = vector.broadcast %broadcast_in_dim3A_21 : i1 to vector<16xi1>
    %masked_cumsum3A = tpu.scan <sum>, %parallel_loop3A_20 masked %broadcast_in_dim3A_22 : vector<16xf32>, vector<16xi1> -> vector<16xf32>
    %eq3A = arith.constant 15 : i32
    %eq3A_23 = vector.broadcast %eq3A : i32 to vector<16xi32>
    %eq3A_24 = arith.cmpi eq, %iota3A, %eq3A_23 : vector<16xi32>
    %mul3A_25 = arith.constant 4.88281239E-6 : f32
    %mul3A_26 = vector.broadcast %mul3A_25 : f32 to vector<16xf32>
    %mul3A_27 = arith.mulf %masked_cumsum3A, %mul3A_26 : vector<16xf32>
    %jit3A = arith.constant 0.000000e+00 : f32
    %broadcast_in_dim3A_28 = vector.broadcast %jit3A : f32 to vector<16xf32>
    %select_n3A = arith.select %eq3A_24, %mul3A_27, %broadcast_in_dim3A_28 : vector<16xi1>, vector<16xf32>
    %swap3A = arith.constant 0 : index
    %swap3A_29 = tpu.vector_load %arg8[%swap3A] {strides = array<i32>} : memref<16xf32, #tpu.memory_space<vmem>>, vector<16xf32>,
    tpu.vector_store %arg8[%swap3A], %select_n3A {strides = array<i32>} : memref<16xf32, #tpu.memory_space<vmem>>, vector<16xf32>,
    "tpu.region"() ({
      %run_scoped3A = tpu.sem_alloc : memref<!tpu.dma_semaphore, #tpu.memory_space<semaphore_mem>>
      %dma_start3A_30 = arith.constant 0 : i32
      %dma_start3A_31 = tpu.memref_slice %arg4[%add3A, %dma_start3A_30] : memref<32x16xf32, #tpu.memory_space<hbm>> -> memref<1x16xf32, #tpu.memory_space<hbm>>
      %dma_start3A_32 = tpu.memref_squeeze %dma_start3A_31 : memref<1x16xf32, #tpu.memory_space<hbm>> -> memref<16xf32, #tpu.memory_space<hbm>>
      %dma_start3A_33 = arith.constant 0 : i32
      %dma_start3A_34 = tpu.memref_slice %arg4[%add3A, %dma_start3A_33] : memref<32x16xf32, #tpu.memory_space<hbm>> -> memref<1x16xf32, #tpu.memory_space<hbm>>
      %dma_start3A_35 = tpu.memref_squeeze %dma_start3A_34 : memref<1x16xf32, #tpu.memory_space<hbm>> -> memref<16xf32, #tpu.memory_space<hbm>>
      tpu.enqueue_dma source(%arg8 : memref<16xf32, #tpu.memory_space<vmem>>) target(%dma_start3A_35 : memref<16xf32, #tpu.memory_space<hbm>>) target_semaphore(%run_scoped3A : memref<!tpu.dma_semaphore, #tpu.memory_space<semaphore_mem>>)
      %dma_wait3A_36 = arith.constant 0 : i32
      %dma_wait3A_37 = tpu.memref_slice %arg4[%add3A, %dma_wait3A_36] : memref<32x16xf32, #tpu.memory_space<hbm>> -> memref<1x16xf32, #tpu.memory_space<hbm>>
      %dma_wait3A_38 = tpu.memref_squeeze %dma_wait3A_37 : memref<1x16xf32, #tpu.memory_space<hbm>> -> memref<16xf32, #tpu.memory_space<hbm>>
      %dma_wait3A_39 = arith.constant 0 : i32
      %dma_wait3A_40 = tpu.memref_slice %arg4[%add3A, %dma_wait3A_39] : memref<32x16xf32, #tpu.memory_space<hbm>> -> memref<1x16xf32, #tpu.memory_space<hbm>>
      %dma_wait3A_41 = tpu.memref_squeeze %dma_wait3A_40 : memref<1x16xf32, #tpu.memory_space<hbm>> -> memref<16xf32, #tpu.memory_space<hbm>>
      tpu.wait_dma2 semaphore(%run_scoped3A : memref<!tpu.dma_semaphore, #tpu.memory_space<semaphore_mem>>) src(%arg8 : memref<16xf32, #tpu.memory_space<vmem>>) dst(%dma_wait3A_41 : memref<16xf32, #tpu.memory_space<hbm>>)
      tpu.yield
    }) : () -> ()
    return
  }
}

</mosaic_0001>

<sc_bundles>
// kernel: kernel.3.cloned.1.call-start
scs
__scs_entry_jumppad:
0x0: {  	(pc) =	sbr.rel $0x88, $3  }
0x1: {  	(tag) =	ssettag $0x0;
	lr =	simm.s32 $0x1  }
0x2: {  	[smem:$0x3F9F] =	sst lr;
	_ =	strace $0xD0000000  }
0x3: {  	_ = 	snop  }
0x4: {  	_ = 	snop  }
0x5: {  	_ = 	snop  }
0x6: {  	_ = 	snop  }
0x7: {  	_ = 	snop  }
__scs_overlays_trampoline_lowered:
0x8: {  	[smem:$0x3FAE] =	sst s0  }
0x9: {  	[smem:$0x3FAF] =	sst s1  }
0xa: {  	[smem:$0x3FB0] =	sst s2  }
0xb: {  	[smem:$0x3FB1] =	sst s3  }
0xc: {  	[smem:$0x3FB2] =	sst s4  }
0xd: {  	[smem:$0x3FB3] =	sst s5  }
0xe: {  	[smem:$0x3FB4] =	sst s6  }
0xf: {  	[smem:$0x3FB5] =	sst s7  }
0x10: {  	[smem:$0x3FB6] =	sst s8  }
0x11: {  	[smem:$0x3FB7] =	sst s9;
	s0 =	simm.s32 @!p0 $0x0  }
0x12: {  	s1 =	sld [smem:$0x3F9D];
	s0 =	simm.s32 @p0 $0x1  }
0x13: {  	[smem:$0x3FB8] =	sst s0;
	s0 =	simm.s32 @!p1 $0x0  }
0x14: {  	s2 =	sld [smem:$0x3F9C];
	s0 =	simm.s32 @p1 $0x1  }
0x15: {  	[smem:$0x3FB9] =	sst s0;
	s0 =	simm.s32 @!p2 $0x0  }
0x16: {  	s3 =	sld [smem:$0x3FDB];
	s0 =	simm.s32 @p2 $0x1  }
0x17: {  	s4 =	simm.s32 $0x1BF5;
	[smem:$0x3FBB] =	sst s0  }
0x18: {  	s0 =	sld [smem:$0x3F9E];
	_ =	swait.ge [sflag:s4], $0x0  }
0x19: {  	s7 =	sld [smem:$0x3F9F]  }
0x1a: {  	s8 =	sadd.s32 $0xFFFFE003, lr  }
0x1b: {  	s9 =	sadd.s32 $0xFFFFFEF7, lr;
	s5 =	simm.s32 $0xFFFFFFFF;
	p2 =	slt.u32 s8, $0xFFFFF086  }
0x1c: {  	p1 =	slt.u32 s9, $0xF7A;
	s5 =	simm.s32 @!p2 $0x0  }
0x1d: {  	s5 =	simm.s32 @p1 $0x1;
	p0 =	seq.s32 s7, s2  }
0x1e: {  	s7 =	smul.u32 @!p0 $0xF7A, s2;
	p2 =	seq.s32 @!p0 s5, $0x0  }
0x1f: {  	s9 =	smul.u32 $0xF7A, s1;
	s8 =	simm.s32 @!p0 $0x1BF5;
	p2 =	por !p2, p0  }
0x20: {  	[sflag:s8] =	ssyncset.s32 @!p0 $0xFFFFF086;
	s6 =	sadd.s32 @!p0 s3, s7;
	s7 =	simm.s32 @!p0 $0x108  }
0x21: {  	s3 =	sadd.s32 s3, s9;
	s6 =	sadd.s32 @!p0 $0x88, s6;
	s7 =	simm.s32 @p2 $0x1082  }
0x22: {  	[simem:s7], [sflag:s8] =	dma.local @!p0 [hbm:s6], $0xF7A  }
0x23: {  	s9 =	sor.u32 $0xD0000000, s2;
	s6 =	simm.s32 $0x108;
	_ =	swait.ge @!p0 [sflag:s8], $0x0  }
0x24: {  	s3 =	sadd.s32 $0x88, s3;
	s6 =	simm.s32 @!p1 $0x1082;
	[sflag:s4] =	ssyncset.s32 $0xFFFFF086  }
0x25: {  	[simem:s6], [sflag:s4] =	dma.local [hbm:s3], $0xF7A  }
0x26: {  	[smem:$0x3F9F] =	sst s1;
	(tag) =	ssettag s2;
	_ =	strace s9  }
0x27: {  	s1 =	sld [smem:$0x3FAF]  }
0x28: {  	s2 =	sld [smem:$0x3FB0]  }
0x29: {  	s4 =	sld [smem:$0x3FB2]  }
0x2a: {  	p0 =	seq.s32 s5, $0x0;
	s5 =	sld [smem:$0x3FB3]  }
0x2b: {  	s6 =	sld [smem:$0x3FB4]  }
0x2c: {  	s7 =	sld [smem:$0x3FB5]  }
0x2d: {  	s3 =	simm.s32 $0x108;
	s8 =	sld [smem:$0x3FB6]  }
0x2e: {  	s3 =	simm.s32 @!p0 $0x1082;
	s9 =	sld [smem:$0x3FB7]  }
0x2f: {  	lr =	sadd.s32 s0, s3;
	s0 =	sld [smem:$0x3FAE]  }
0x30: {  	s3 =	sld [smem:$0x3FB1]  }
0x31: {  	[smem:$0x3FBA] =	sst s10  }
0x32: {  	s10 =	sld [smem:$0x3FB8];
	_ =	sdelay $0x3  }
0x33: {  	p0 =	seq.s32 s10, $0x1;
	s10 =	sld [smem:$0x3FBA];
	_ =	sdelay $0x3  }
0x34: {  	[smem:$0x3FBA] =	sst s10  }
0x35: {  	s10 =	sld [smem:$0x3FB9];
	_ =	sdelay $0x3  }
0x36: {  	p1 =	seq.s32 s10, $0x1;
	s10 =	sld [smem:$0x3FBA];
	_ =	sdelay $0x3  }
0x37: {  	[smem:$0x3FBA] =	sst s10  }
0x38: {  	s10 =	sld [smem:$0x3FBB]  }
0x39: {  	_ = 	snop;
	(pc) =	sbr.ind lr, $3  }
0x3a: {  	_ = 	snop  }
0x3b: {  	_ = 	snop  }
0x3c: {  	p2 =	seq.s32 s10, $0x1;
	s10 =	sld [smem:$0x3FBA]  }
0x3d: {  	_ =	shalt  }
0x3e: {  	_ =	shalt  }
0x3f: {  	_ =	shalt  }
0x40: {  	_ =	shalt  }
0x41: {  	_ =	shalt  }
0x42: {  	_ =	shalt  }
0x43: {  	_ =	shalt  }
0x44: {  	_ =	shalt  }
0x45: {  	_ =	shalt  }
0x46: {  	_ =	shalt  }
0x47: {  	_ =	shalt  }
0x48: {  	_ =	shalt  }
0x49: {  	_ =	shalt  }
0x4a: {  	_ =	shalt  }
0x4b: {  	_ =	shalt  }
0x4c: {  	_ =	shalt  }
0x4d: {  	_ =	shalt  }
0x4e: {  	_ =	shalt  }
0x4f: {  	_ =	shalt  }
0x50: {  	_ =	shalt  }
0x51: {  	_ =	shalt  }
0x52: {  	_ =	shalt  }
0x53: {  	_ =	shalt  }
0x54: {  	_ =	shalt  }
0x55: {  	_ =	shalt  }
0x56: {  	_ =	shalt  }
0x57: {  	_ =	shalt  }
0x58: {  	_ =	shalt  }
0x59: {  	_ =	shalt  }
0x5a: {  	_ =	shalt  }
0x5b: {  	_ =	shalt  }
0x5c: {  	_ =	shalt  }
0x5d: {  	_ =	shalt  }
0x5e: {  	_ =	shalt  }
0x5f: {  	_ =	shalt  }
0x60: {  	_ =	shalt  }
0x61: {  	_ =	shalt  }
0x62: {  	_ =	shalt  }
0x63: {  	_ =	shalt  }
0x64: {  	_ =	shalt  }
0x65: {  	_ =	shalt  }
0x66: {  	_ =	shalt  }
0x67: {  	_ =	shalt  }
0x68: {  	_ =	shalt  }
0x69: {  	_ =	shalt  }
0x6a: {  	_ =	shalt  }
0x6b: {  	_ =	shalt  }
0x6c: {  	_ =	shalt  }
0x6d: {  	_ =	shalt  }
0x6e: {  	_ =	shalt  }
0x6f: {  	_ =	shalt  }
0x70: {  	_ =	shalt  }
0x71: {  	_ =	shalt  }
0x72: {  	_ =	shalt  }
0x73: {  	_ =	shalt  }
0x74: {  	_ =	shalt  }
0x75: {  	_ =	shalt  }
0x76: {  	_ =	shalt  }
0x77: {  	_ =	shalt  }
0x78: {  	_ =	shalt  }
0x79: {  	_ =	shalt  }
0x7a: {  	_ =	shalt  }
0x7b: {  	_ =	shalt  }
0x7c: {  	_ =	shalt  }
0x7d: {  	_ =	shalt  }
0x7e: {  	_ =	shalt  }
0x7f: {  	_ =	shalt  }
0x80: {  	_ =	shalt  }
0x81: {  	_ =	shalt  }
0x82: {  	_ =	shalt  }
0x83: {  	_ =	shalt  }
0x84: {  	_ =	shalt  }
0x85: {  	_ =	shalt  }
0x86: {  	_ =	shalt  }
0x87: {  	_ =	shalt  }
.Lfunc_end0:
.L_simem_size_0:
called_computation_lowered:
.L_overlay_start_0:
0x88: {  	s2 =	sld [smem:$0x3FD9]  }
0x89: {  	s3 =	sld [smem:$0x3FFE];
	_ =	sdelay $0x1  }
0x8a: {  	s1 =	srdreg.scid  }
0x8b: {  	s0 =	sand.u32 $0x1, s1  }
0x8c: {  	s16 =	sshll.u32 s0, $0xA;
	s2 =	sadd.s32 s3, s2  }
0x8d: {  	s2 =	sadd.s32 s2, s16  }
0x8e: {  	[smem:$0x3FC6] =	sst s2  }
0x8f: {  	_ = 	snop  }
0x90: {  	(tm) =	ssettm $0x1  }
0x91: {  	s17 =	sld [smem:$0x3FFB];
	_ =	sdelay $0x3  }
0x92: {  	_ =	strace s17  }
0x93: {  	s2 =	sld [smem:$0x3FFC];
	_ =	sdelay $0x3  }
0x94: {  	_ =	strace s2  }
0x95: {  	s2 =	sld [smem:$0x3FFD];
	_ =	sdelay $0x3  }
0x96: {  	_ =	strace s2  }
0x97: {  	_ =	strace $0x8FFFFFFF  }
0x98: {  	s18 =	sld [smem:$0x3FDB];
	_ =	sdelay $0x1  }
0x99: {  	s19 =	simm.s32 $_scs_section_size  }
0x9a: {  	s4 =	simm.s32 $_size__tile_overlayer_lowered;
	s5 =	simm.s32 $_tile_overlayer_lowered  }
0x9b: {  	s22 =	simm.s32 $0x1BFF;
	s21 =	sshll.u32 s5, $0x1;
	s2 =	sadd.s32 s19, s18  }
0x9c: {  	s6 =	simm.s32 $0x0;
	s20 =	sshll.u32 s4, $0x1;
	s4 =	sadd.s32 s21, s2  }
0x9d: {  	[timem:s6], [sflag:s22] =	dma.local [hbm:s4], s20  }
0x9e: {  	_ =	swait.ge [sflag:s22], s20  }
0x9f: {  	s3 =	ssub.s32 $0x0, s20;
	[sflag:s22] =	ssyncset.done $0x0  }
0xa0: {  	[sflag:s22] =	ssyncadd.s32 s3;
	_ =	sdelay $0x1  }
0xa1: {  	s23 =	simm.s32 $0x1B8B  }
0xa2: {  	_ =	swait.ge [sflag:s23], $0x1  }
0xa3: {  	[sflag:s23] =	ssyncset.done $0x0  }
0xa4: {  	s25 =	simm.s32 $0x1B8E;
	s24 =	sld [smem:$0x3FFE];
	[sflag:s23] =	ssyncadd.s32 $0xFFFFFFFF  }
0xa5: {  	s26 =	simm.s32 $execute0_lowered;
	[smem:$0x3FD2] =	sst s25  }
0xa6: {  	s4 =	sshll.u32 s26, $0x1;
	_ =	strace $0x80000046;
	[dreg:$0x1] =	wrdreg $0xFFFFFFFF  }
0xa7: {  	s28 =	simm.s32 $_size_execute0_lowered;
	s2 =	sadd.s32 s2, s4;
	[dreg:$0x0] =	wrdreg $0x0  }
0xa8: {  	s4 =	sshll.u32 s28, $0x1;
	[dreg:$0x2] =	wrdreg s2  }
0xa9: {  	[dreg:$0x3] =	wrdreg s4  }
0xaa: {  	[dreg:$0x4] =	wrdreg $0xC0  }
0xab: {  	_ =	task [dreg:s6], $0x5FFFF  }
0xac: {  	[dreg:$0x1] =	wrdreg $0xFFFFFFFF  }
0xad: {  	[dreg:$0x0] =	wrdreg $0x60  }
0xae: {  	[dreg:$0x2] =	wrdreg s24  }
0xaf: {  	[dreg:$0x3] =	wrdreg $0x9  }
0xb0: {  	_ =	task.clear_ibuf [dreg:s6], $0x4FFFF;
	_ =	strace $0x90000046  }
0xb1: {  	s29 =	simm.s32 $0x9;
	_ =	strace $0x80000048  }
0xb2: {  	_ =	swait.ge [sflag:s29], $0x1  }
0xb3: {  	[sflag:s29] =	ssyncadd.s32 $0xFFFFFFFF  }
0xb4: {  	_ =	strace $0x90000048  }
0xb5: {  	_ =	sfence  }
0xb6: {  	s30 =	sld [smem:$0x0];
	_ =	sdelay $0x2  }
0xb7: {  	s31 =	sshll.u32 s1, $0xD;
	s1 =	sshrl.u32 s1, $0x2  }
0xb8: {  	s3 =	sand.u32 $0x4000, s31;
	s1 =	sadd.s32 s1, s30  }
0xb9: {  	s0 =	sor.u32 s3, s0;
	s1 =	sshll.u32 s1, $0x11  }
0xba: {  	s0 =	sor.u32 s1, s0  }
0xbb: {  	s0 =	sadd.s32 $0x8F2B, s0  }
0xbc: {  	[sflag:s0] =	ssyncadd.remote.s32 $0x1  }
0xbd: {  	_ =	sfence.sel $0xFFFF  }
0xbe: {  	[dreg:$0x0] =	wrdreg $0xFFFFFFFF;
	(pc) =	sbr.abs _section_cstart, $3  }
0xbf: {  	[dreg:$0x1] =	wrdreg $0xFFFFFFFF  }
0xc0: {  	_ =	task.clear_ibuf [dreg:s6], $0x2FFFF;
	_ =	strace $0x9FFFFFFF  }
0xc1: {  	(tm) =	ssettm $0x7FFFFFFF  }
tec
execute0_lowered:
.L_overlay_start_1:
0x0: {  	(tag) =	ssettag $0x1  }
0x1: {  	s3 =	rddreg [dreg:$0x0]  }
0x2: {  	s0 =	rddreg [dreg:$0x1];
	s2 =	simm.s32 $0x0;
	s4 =	srdreg.scid  }
0x3: {  	s1 =	stileid.u32;
	s8 =	simm.s32 $0x1;
	s9 =	simm.s32 $0x2  }
0x4: {  	s10 =	simm.s32 $0x4000;
	s11 =	simm.s32 $0x6000;
	s12 =	simm.s32 $0x3  }
0x5: {  	[smem:$0x7FF] =	sst s2;
	s4 =	sand.u32 $0x1, s4;
	s5 =	sshll.u32 s1, $0x1  }
0x6: {  	s13 =	simm.s32 $0x0;
	_ =	strace $0x80000047;
	s5 =	sor.u32 s4, s5  }
0x7: {  	v0 =	vlaneseq.u32;
	s4 =	ssub.s32 $0x2, s4;
	s6 =	sshll.u32 s5, $0xA;
	s5 =	sshll.u32 s5, $0x4  }
0x8: {  	v0 =	vmul.u32 $0xFFFFFFFF, v0;
	s31 =	sshrl.u32 s4, $0x1;
	s6 =	sadd.s32 s6, s3;
	s5 =	sadd.s32 s5, s3  }
0x9: {  	vm0 =	vcmask $0x3F20;
	vm1 =	vmmov $0xff;
	v1 =	vimm.s32 $0xF;
	s7 =	ssub.s32 s4, s31;
	s3 =	sadd.s32 $0x200, s6;
	s4 =	sadd.s32 $0x8200, s6  }
0xa: {  	v2 =	vimm.f32 $0.0e+00;
	vm2 =	vmmov $0x7fff;
	v0 =	vadd.s32 $0xF, v0;
	s5 =	sadd.s32 $0x10200, s5;
	s6 =	smax.u32 s7, $0x1;
	s7 =	simm.s32 $0x2000  }
.LBB2_1:
0xb: {  	[tilespmem:s2], [sflag:$0x1] =	stream.linear.gather [hbm4b:s3+s2], $0x2000, $0x38;
	[tilespmem:$0x6080] =	vst v63  }
0xc: {  	_ = 	snop  }
0xd: {  	[tilespmem:s7], [sflag:$0x2] =	stream.linear.gather [hbm4b:s4+s2], $0x2000, $0x38;
	[tilespmem:$0x6080] =	vst v63  }
0xe: {  	_ =	swait.ge [sflag:s8], $0x2000  }
0xf: {  	[sflag:s8] =	ssyncset.done $0x0  }
0x10: {  	[sflag:s8] =	ssyncadd.s32 $0xFFFFE000  }
0x11: {  	_ =	swait.ge [sflag:s9], $0x2000  }
0x12: {  	s14 =	sand.u32 $0x1800, s2;
	s15 =	sand.u32 $0x380, s2;
	[sflag:s9] =	ssyncset.done $0x0  }
0x13: {  	s15 =	sor.u32 s15, s14;
	[sflag:s9] =	ssyncadd.s32 $0xFFFFE000  }
0x14: {  	v6 =	vld [tilespmem:s15+$0x0];
	_ =	sdelay $0x1  }
0x15: {  	v3 =	vld [tilespmem:s15+$0x2000];
	_ =	sdelay $0x2  }
0x16: {  	v4 =	vmul.f32 $1.442695020e+00, v6;
	_ =	sdelay $0x1  }
0x17: {  	v7 =	vmov s2;
	v3 =	vadd.s32 $0xFFFFFFFF, v3;
	(erf) = vpow2.f32 v4  }
0x18: {  	v8 =	vshll.u32 v3, $0x3;
	v4 =	vshll.u32 v7, $0x8  }
0x19: {  	v5 =	vand.u32 $0x1800, v4;
	v4 =	vand.u32 $0xFFFFFC00, v8  }
0x1a: {  	v3 =	vand.u32 $0x7F, v3;
	v7 =	vshll.u32 v7, $0x7;
	v4 =	vadd.s32 v5, v4  }
0x1b: {  	v12 =	vand.u32 $0x380, v7;
	v3 =	vor.u32 v3, v4  }
0x1c: {  	v3 =	vor.u32 v12, v3;
	_ =	sdelay $0x3  }
0x1d: {  	v4 =	vpop (erf)  }
0x1e: {  	[tilespmem:v3+s10+$0x0] =	vst.idx.msk $0xffff, v4  }
0x1f: {  	v7 =	vld [tilespmem:s15+$0x10];
	_ =	sdelay $0x1  }
0x20: {  	v3 =	vld [tilespmem:s15+$0x2010];
	_ =	sdelay $0x2  }
0x21: {  	v4 =	vmul.f32 $1.442695020e+00, v7;
	_ =	sdelay $0x1  }
0x22: {  	v3 =	vadd.s32 $0xFFFFFFFF, v3;
	(erf) = vpow2.f32 v4  }
0x23: {  	v4 =	vshll.u32 v3, $0x3  }
0x24: {  	v4 =	vand.u32 $0xFFFFFC00, v4  }
0x25: {  	v3 =	vand.u32 $0x7F, v3;
	v4 =	vadd.s32 v5, v4  }
0x26: {  	v3 =	vor.u32 v3, v4  }
0x27: {  	v3 =	vor.u32 v12, v3;
	_ =	sdelay $0x3  }
0x28: {  	v4 =	vpop (erf)  }
0x29: {  	[tilespmem:v3+s10+$0x0] =	vst.idx.msk $0xffff, v4  }
0x2a: {  	v17 =	vld [tilespmem:s15+$0x20];
	_ =	sdelay $0x1  }
0x2b: {  	v3 =	vld [tilespmem:s15+$0x2020];
	_ =	sdelay $0x2  }
0x2c: {  	v4 =	vmul.f32 $1.442695020e+00, v17;
	_ =	sdelay $0x1  }
0x2d: {  	v3 =	vadd.s32 $0xFFFFFFFF, v3;
	(erf) = vpow2.f32 v4  }
0x2e: {  	v4 =	vshll.u32 v3, $0x3  }
0x2f: {  	v4 =	vand.u32 $0xFFFFFC00, v4  }
0x30: {  	v3 =	vand.u32 $0x7F, v3;
	v4 =	vadd.s32 v5, v4  }
0x31: {  	v3 =	vor.u32 v3, v4  }
0x32: {  	v3 =	vor.u32 v12, v3;
	_ =	sdelay $0x3  }
0x33: {  	v4 =	vpop (erf)  }
0x34: {  	[tilespmem:v3+s10+$0x0] =	vst.idx.msk $0xffff, v4  }
0x35: {  	v19 =	vld [tilespmem:s15+$0x30];
	_ =	sdelay $0x1  }
0x36: {  	v3 =	vld [tilespmem:s15+$0x2030];
	_ =	sdelay $0x2  }
0x37: {  	v4 =	vmul.f32 $1.442695020e+00, v19;
	_ =	sdelay $0x1  }
0x38: {  	v3 =	vadd.s32 $0xFFFFFFFF, v3;
	(erf) = vpow2.f32 v4  }
0x39: {  	v4 =	vshll.u32 v3, $0x3  }
0x3a: {  	v4 =	vand.u32 $0xFFFFFC00, v4  }
0x3b: {  	v3 =	vand.u32 $0x7F, v3;
	v4 =	vadd.s32 v5, v4  }
0x3c: {  	v3 =	vor.u32 v3, v4  }
0x3d: {  	v3 =	vor.u32 v12, v3;
	_ =	sdelay $0x3  }
0x3e: {  	v4 =	vpop (erf)  }
0x3f: {  	[tilespmem:v3+s10+$0x0] =	vst.idx.msk $0xffff, v4  }
0x40: {  	v25 =	vld [tilespmem:s15+$0x40];
	_ =	sdelay $0x1  }
0x41: {  	v3 =	vld [tilespmem:s15+$0x2040];
	_ =	sdelay $0x2  }
0x42: {  	v4 =	vmul.f32 $1.442695020e+00, v25;
	_ =	sdelay $0x1  }
0x43: {  	v3 =	vadd.s32 $0xFFFFFFFF, v3;
	(erf) = vpow2.f32 v4  }
0x44: {  	v4 =	vshll.u32 v3, $0x3  }
0x45: {  	v4 =	vand.u32 $0xFFFFFC00, v4  }
0x46: {  	v3 =	vand.u32 $0x7F, v3;
	v4 =	vadd.s32 v5, v4  }
0x47: {  	v3 =	vor.u32 v3, v4  }
0x48: {  	v3 =	vor.u32 v12, v3  }
0x49: {  	s24 =	simm.s32 $0x80;
	s16 =	simm.s32 $0x100  }
0x4a: {  	s16 =	sand.u32 $0x1800, s16;
	s14 =	sand.u32 $0x380, s24  }
0x4b: {  	s16 =	sor.u32 s14, s16  }
0x4c: {  	v22 =	vld [tilespmem:s16+$0x0];
	v4 =	vpop (erf)  }
0x4d: {  	[tilespmem:v3+s10+$0x0] =	vst.idx.msk $0xffff, v4;
	v4 =	vld [tilespmem:s16+$0x2000]  }
0x4e: {  	v31 =	vld [tilespmem:s15+$0x50]  }
0x4f: {  	v3 =	vld [tilespmem:s15+$0x2050];
	_ =	sdelay $0x3  }
0x50: {  	v8 =	vmul.f32 $1.442695020e+00, v31  }
0x51: {  	v10 =	vmul.f32 $1.442695020e+00, v22;
	v4 =	vadd.s32 $0xFFFFFFFF, v4;
	v3 =	vadd.s32 $0xFFFFFFFF, v3  }
0x52: {  	s25 =	simm.s32 $0x1;
	v11 =	vshll.u32 v4, $0x3;
	v9 =	vshll.u32 v3, $0x3;
	(erf) = vpow2.f32 v8  }
0x53: {  	v8 =	vand.u32 $0xFFFFFC00, v9;
	v9 =	vmov s25;
	(erf) = vpow2.f32 v10  }
0x54: {  	v3 =	vand.u32 $0x7F, v3;
	v8 =	vadd.s32 v5, v8;
	v10 =	vshll.u32 v9, $0x8  }
0x55: {  	v3 =	vor.u32 v3, v8;
	v24 =	vand.u32 $0x1800, v10;
	v8 =	vand.u32 $0xFFFFFC00, v11  }
0x56: {  	v4 =	vand.u32 $0x7F, v4;
	v9 =	vshll.u32 v9, $0x7;
	v8 =	vadd.s32 v24, v8  }
0x57: {  	v23 =	vand.u32 $0x380, v9;
	v3 =	vor.u32 v12, v3;
	v4 =	vor.u32 v4, v8  }
0x58: {  	v4 =	vor.u32 v23, v4;
	_ =	sdelay $0x2  }
0x59: {  	v8 =	vpop (erf)  }
0x5a: {  	[tilespmem:v3+s10+$0x0] =	vst.idx.msk $0xffff, v8;
	v3 =	vpop (erf)  }
0x5b: {  	v32 =	vld [tilespmem:s15+$0x60];
	[tilespmem:v4+s10+$0x0] =	vst.idx.msk $0xffff, v3  }
0x5c: {  	v26 =	vld [tilespmem:s16+$0x10]  }
0x5d: {  	v3 =	vld [tilespmem:s15+$0x2060]  }
0x5e: {  	v4 =	vld [tilespmem:s16+$0x2010];
	_ =	sdelay $0x1  }
0x5f: {  	v8 =	vmul.f32 $1.442695020e+00, v32  }
0x60: {  	v9 =	vmul.f32 $1.442695020e+00, v26  }
0x61: {  	v3 =	vadd.s32 $0xFFFFFFFF, v3;
	(erf) = vpow2.f32 v8  }
0x62: {  	v4 =	vadd.s32 $0xFFFFFFFF, v4;
	v8 =	vshll.u32 v3, $0x3;
	(erf) = vpow2.f32 v9  }
0x63: {  	v8 =	vand.u32 $0xFFFFFC00, v8;
	v9 =	vshll.u32 v4, $0x3  }
0x64: {  	v3 =	vand.u32 $0x7F, v3;
	v8 =	vadd.s32 v5, v8;
	v9 =	vand.u32 $0xFFFFFC00, v9  }
0x65: {  	v4 =	vand.u32 $0x7F, v4;
	v3 =	vor.u32 v3, v8;
	v8 =	vadd.s32 v24, v9  }
0x66: {  	v3 =	vor.u32 v12, v3;
	v4 =	vor.u32 v4, v8  }
0x67: {  	v4 =	vor.u32 v23, v4;
	_ =	sdelay $0x2  }
0x68: {  	v8 =	vpop (erf)  }
0x69: {  	[tilespmem:v3+s10+$0x0] =	vst.idx.msk $0xffff, v8;
	v3 =	vpop (erf)  }
0x6a: {  	v36 =	vld [tilespmem:s15+$0x70];
	[tilespmem:v4+s10+$0x0] =	vst.idx.msk $0xffff, v3  }
0x6b: {  	v8 =	vld [tilespmem:s16+$0x20]  }
0x6c: {  	v3 =	vld [tilespmem:s15+$0x2070]  }
0x6d: {  	v4 =	vld [tilespmem:s16+$0x2020];
	_ =	sdelay $0x1  }
0x6e: {  	v9 =	vmul.f32 $1.442695020e+00, v36  }
0x6f: {  	v10 =	vmul.f32 $1.442695020e+00, v8  }
0x70: {  	v3 =	vadd.s32 $0xFFFFFFFF, v3;
	(erf) = vpow2.f32 v9  }
0x71: {  	v4 =	vadd.s32 $0xFFFFFFFF, v4;
	v9 =	vshll.u32 v3, $0x3;
	(erf) = vpow2.f32 v10  }
0x72: {  	v9 =	vand.u32 $0xFFFFFC00, v9;
	v10 =	vshll.u32 v4, $0x3  }
0x73: {  	v3 =	vand.u32 $0x7F, v3;
	v9 =	vadd.s32 v5, v9;
	v10 =	vand.u32 $0xFFFFFC00, v10  }
0x74: {  	v4 =	vand.u32 $0x7F, v4;
	v3 =	vor.u32 v3, v9;
	v9 =	vadd.s32 v24, v10  }
0x75: {  	v3 =	vor.u32 v12, v3;
	v4 =	vor.u32 v4, v9  }
0x76: {  	v4 =	vor.u32 v23, v4;
	_ =	sdelay $0x2  }
0x77: {  	v9 =	vpop (erf)  }
0x78: {  	[tilespmem:v3+s10+$0x0] =	vst.idx.msk $0xffff, v9;
	v3 =	vpop (erf)  }
0x79: {  	v28 =	vld [tilespmem:s15+$0x400];
	[tilespmem:v4+s10+$0x0] =	vst.idx.msk $0xffff, v3  }
0x7a: {  	v9 =	vld [tilespmem:s16+$0x30]  }
0x7b: {  	v3 =	vld [tilespmem:s15+$0x2400]  }
0x7c: {  	v4 =	vld [tilespmem:s16+$0x2030];
	_ =	sdelay $0x1  }
0x7d: {  	v10 =	vmul.f32 $1.442695020e+00, v28  }
0x7e: {  	v11 =	vmul.f32 $1.442695020e+00, v9  }
0x7f: {  	v3 =	vadd.s32 $0xFFFFFFFF, v3;
	(erf) = vpow2.f32 v10  }
0x80: {  	v4 =	vadd.s32 $0xFFFFFFFF, v4;
	v10 =	vshll.u32 v3, $0x3;
	(erf) = vpow2.f32 v11  }
0x81: {  	v10 =	vand.u32 $0xFFFFFC00, v10;
	v11 =	vshll.u32 v4, $0x3  }
0x82: {  	v3 =	vand.u32 $0x7F, v3;
	v10 =	vadd.s32 v5, v10;
	v11 =	vand.u32 $0xFFFFFC00, v11  }
0x83: {  	v4 =	vand.u32 $0x7F, v4;
	v3 =	vor.u32 v3, v10;
	v10 =	vadd.s32 v24, v11  }
0x84: {  	v3 =	vor.u32 v12, v3;
	v4 =	vor.u32 v4, v10  }
0x85: {  	v4 =	vor.u32 v23, v4;
	_ =	sdelay $0x2  }
0x86: {  	v10 =	vpop (erf)  }
0x87: {  	[tilespmem:v3+s10+$0x0] =	vst.idx.msk $0xffff, v10;
	v3 =	vpop (erf)  }
0x88: {  	v33 =	vld [tilespmem:s15+$0x410];
	[tilespmem:v4+s10+$0x0] =	vst.idx.msk $0xffff, v3  }
0x89: {  	v10 =	vld [tilespmem:s16+$0x40]  }
0x8a: {  	v3 =	vld [tilespmem:s15+$0x2410]  }
0x8b: {  	v4 =	vld [tilespmem:s16+$0x2040];
	_ =	sdelay $0x1  }
0x8c: {  	v11 =	vmul.f32 $1.442695020e+00, v33  }
0x8d: {  	v13 =	vmul.f32 $1.442695020e+00, v10  }
0x8e: {  	v3 =	vadd.s32 $0xFFFFFFFF, v3;
	(erf) = vpow2.f32 v11  }
0x8f: {  	v4 =	vadd.s32 $0xFFFFFFFF, v4;
	v11 =	vshll.u32 v3, $0x3;
	(erf) = vpow2.f32 v13  }
0x90: {  	v11 =	vand.u32 $0xFFFFFC00, v11;
	v13 =	vshll.u32 v4, $0x3  }
0x91: {  	v3 =	vand.u32 $0x7F, v3;
	v11 =	vadd.s32 v5, v11;
	v13 =	vand.u32 $0xFFFFFC00, v13  }
0x92: {  	v4 =	vand.u32 $0x7F, v4;
	v3 =	vor.u32 v3, v11;
	v11 =	vadd.s32 v24, v13  }
0x93: {  	v3 =	vor.u32 v12, v3;
	v4 =	vor.u32 v4, v11  }
0x94: {  	v4 =	vor.u32 v23, v4;
	_ =	sdelay $0x2  }
0x95: {  	v11 =	vpop (erf)  }
0x96: {  	[tilespmem:v3+s10+$0x0] =	vst.idx.msk $0xffff, v11;
	v3 =	vpop (erf)  }
0x97: {  	v34 =	vld [tilespmem:s15+$0x420];
	[tilespmem:v4+s10+$0x0] =	vst.idx.msk $0xffff, v3  }
0x98: {  	v11 =	vld [tilespmem:s16+$0x50]  }
0x99: {  	v3 =	vld [tilespmem:s15+$0x2420]  }
0x9a: {  	v4 =	vld [tilespmem:s16+$0x2050]  }
0x9b: {  	s26 =	simm.s32 $0x100;
	s17 =	simm.s32 $0x200  }
0x9c: {  	s17 =	sand.u32 $0x1800, s17;
	s14 =	sand.u32 $0x380, s26;
	v13 =	vmul.f32 $1.442695020e+00, v34  }
0x9d: {  	s14 =	sor.u32 s14, s17;
	v14 =	vmul.f32 $1.442695020e+00, v11  }
0x9e: {  	v27 =	vld [tilespmem:s14+$0x0];
	v3 =	vadd.s32 $0xFFFFFFFF, v3;
	(erf) = vpow2.f32 v13  }
0x9f: {  	v4 =	vadd.s32 $0xFFFFFFFF, v4;
	v13 =	vshll.u32 v3, $0x3;
	(erf) = vpow2.f32 v14  }
0xa0: {  	v15 =	vshll.u32 v4, $0x3;
	v13 =	vand.u32 $0xFFFFFC00, v13;
	v14 =	vld [tilespmem:s14+$0x2000]  }
0xa1: {  	v3 =	vand.u32 $0x7F, v3;
	v15 =	vand.u32 $0xFFFFFC00, v15;
	v13 =	vadd.s32 v5, v13  }
0xa2: {  	v4 =	vand.u32 $0x7F, v4;
	v3 =	vor.u32 v3, v13;
	v13 =	vadd.s32 v24, v15  }
0xa3: {  	v3 =	vor.u32 v12, v3;
	v4 =	vor.u32 v4, v13;
	v13 =	vmul.f32 $1.442695020e+00, v27  }
0xa4: {  	s28 =	simm.s32 $0x2;
	v4 =	vor.u32 v23, v4  }
0xa5: {  	v15 =	vmov s28;
	v14 =	vadd.s32 $0xFFFFFFFF, v14;
	(erf) = vpow2.f32 v13  }
0xa6: {  	v13 =	vshll.u32 v15, $0x8;
	v16 =	vshll.u32 v14, $0x3  }
0xa7: {  	v20 =	vand.u32 $0x1800, v13;
	v13 =	vand.u32 $0xFFFFFC00, v16;
	v18 =	vpop (erf)  }
0xa8: {  	[tilespmem:v3+s10+$0x0] =	vst.idx.msk $0xffff, v18;
	v3 =	vadd.s32 v20, v13;
	v13 =	vand.u32 $0x7F, v14;
	v14 =	vshll.u32 v15, $0x7;
	v15 =	vpop (erf)  }
0xa9: {  	v35 =	vld [tilespmem:s15+$0x430];
	v21 =	vand.u32 $0x380, v14;
	v3 =	vor.u32 v13, v3;
	[tilespmem:v4+s10+$0x0] =	vst.idx.msk $0xffff, v15  }
0xaa: {  	v3 =	vor.u32 v21, v3;
	v13 =	vld [tilespmem:s16+$0x60]  }
0xab: {  	v4 =	vld [tilespmem:s15+$0x2430]  }
0xac: {  	v14 =	vld [tilespmem:s16+$0x2060];
	_ =	sdelay $0x1  }
0xad: {  	v16 =	vpop (erf);
	v15 =	vmul.f32 $1.442695020e+00, v35  }
0xae: {  	v18 =	vmul.f32 $1.442695020e+00, v13;
	[tilespmem:v3+s10+$0x0] =	vst.idx.msk $0xffff, v16  }
0xaf: {  	v3 =	vadd.s32 $0xFFFFFFFF, v4;
	(erf) = vpow2.f32 v15;
	v29 =	vld [tilespmem:s14+$0x10]  }
0xb0: {  	v14 =	vadd.s32 $0xFFFFFFFF, v14;
	v4 =	vshll.u32 v3, $0x3;
	(erf) = vpow2.f32 v18  }
0xb1: {  	v15 =	vshll.u32 v14, $0x3;
	v16 =	vld [tilespmem:s14+$0x2010];
	v4 =	vand.u32 $0xFFFFFC00, v4  }
0xb2: {  	v3 =	vand.u32 $0x7F, v3;
	v15 =	vand.u32 $0xFFFFFC00, v15;
	v4 =	vadd.s32 v5, v4  }
0xb3: {  	v3 =	vor.u32 v3, v4;
	v4 =	vand.u32 $0x7F, v14;
	v14 =	vadd.s32 v24, v15  }
0xb4: {  	v3 =	vor.u32 v12, v3;
	v4 =	vor.u32 v4, v14;
	v14 =	vmul.f32 $1.442695020e+00, v29  }
0xb5: {  	v4 =	vor.u32 v23, v4  }
0xb6: {  	v15 =	vadd.s32 $0xFFFFFFFF, v16;
	(erf) = vpow2.f32 v14  }
0xb7: {  	v14 =	vshll.u32 v15, $0x3  }
0xb8: {  	v14 =	vand.u32 $0xFFFFFC00, v14;
	v16 =	vpop (erf)  }
0xb9: {  	v15 =	vand.u32 $0x7F, v15;
	v14 =	vadd.s32 v20, v14;
	[tilespmem:v3+s10+$0x0] =	vst.idx.msk $0xffff, v16;
	v3 =	vpop (erf)  }
0xba: {  	v30 =	vld [tilespmem:s15+$0x438];
	[tilespmem:v4+s10+$0x0] =	vst.idx.msk $0xffff, v3;
	v3 =	vor.u32 v15, v14  }
0xbb: {  	v3 =	vor.u32 v21, v3;
	v14 =	vld [tilespmem:s16+$0x70];
	_ =	sdelay $0x1  }
0xbc: {  	v4 =	vld [tilespmem:s16+$0x2070];
	_ =	sdelay $0x1  }
0xbd: {  	v15 =	vmul.f32 $1.442695020e+00, v30;
	v16 =	vpop (erf)  }
0xbe: {  	v18 =	vmul.f32 $1.442695020e+00, v14;
	[tilespmem:v3+s10+$0x0] =	vst.idx.msk $0xffff, v16  }
0xbf: {  	(erf) = vpow2.f32 v15;
	v3 =	vld [tilespmem:s14+$0x20]  }
0xc0: {  	v4 =	vadd.s32 $0xFFFFFFFF, v4;
	(erf) = vpow2.f32 v18  }
0xc1: {  	v15 =	vshll.u32 v4, $0x3;
	v16 =	vld [tilespmem:s14+$0x2020]  }
0xc2: {  	v15 =	vand.u32 $0xFFFFFC00, v15  }
0xc3: {  	v4 =	vand.u32 $0x7F, v4;
	v15 =	vadd.s32 v24, v15  }
0xc4: {  	v4 =	vor.u32 v4, v15;
	v15 =	vmul.f32 $1.442695020e+00, v3  }
0xc5: {  	v4 =	vor.u32 v23, v4  }
0xc6: {  	v16 =	vadd.s32 $0xFFFFFFFF, v16;
	(erf) = vpow2.f32 v15  }
0xc7: {  	v15 =	vshll.u32 v16, $0x3  }
0xc8: {  	v15 =	vand.u32 $0xFFFFFC00, v15;
	v18 =	vpop (erf)  }
0xc9: {  	v16 =	vand.u32 $0x7F, v16;
	v15 =	vadd.s32 v20, v15;
	v37 =	vpop (erf)  }
0xca: {  	v15 =	vor.u32 v16, v15;
	[tilespmem:v4+s10+$0x0] =	vst.idx.msk $0xffff, v37  }
0xcb: {  	v4 =	vor.u32 v21, v15;
	v15 =	vld [tilespmem:s16+$0x400];
	_ =	sdelay $0x1  }
0xcc: {  	v37 =	vld [tilespmem:s16+$0x2400]  }
0xcd: {  	v16 =	vld [tilespmem:s15+$0x2438]  }
0xce: {  	v38 =	vpop (erf)  }
0xcf: {  	[tilespmem:v4+s10+$0x0] =	vst.idx.msk $0xffff, v38;
	v44 =	vmul.f32 $1.442695020e+00, v15  }
0xd0: {  	v4 =	vld [tilespmem:s14+$0x30]  }
0xd1: {  	v37 =	vadd.s32 $0xFFFFFFFF, v37;
	(erf) = vpow2.f32 v44  }
0xd2: {  	v16 =	vadd.s32 $0xFFFFFFFF, v16;
	v39 =	vld [tilespmem:s14+$0x2030];
	v40 =	vshll.u32 v37, $0x3  }
0xd3: {  	v45 =	vshll.u32 v16, $0x3;
	v16 =	vand.u32 $0x7F, v16;
	v40 =	vand.u32 $0xFFFFFC00, v40  }
0xd4: {  	v38 =	vand.u32 $0xFFFFFC00, v45;
	v37 =	vand.u32 $0x7F, v37;
	v40 =	vadd.s32 v24, v40  }
0xd5: {  	v5 =	vadd.s32 v5, v38;
	v37 =	vor.u32 v37, v40;
	v46 =	vmul.f32 $1.442695020e+00, v4  }
0xd6: {  	v5 =	vor.u32 v16, v5;
	v16 =	vor.u32 v23, v37  }
0xd7: {  	v5 =	vor.u32 v12, v5;
	v12 =	vadd.s32 $0xFFFFFFFF, v39;
	(erf) = vpow2.f32 v46  }
0xd8: {  	v47 =	vshll.u32 v12, $0x3  }
0xd9: {  	v37 =	vand.u32 $0xFFFFFC00, v47  }
0xda: {  	v12 =	vand.u32 $0x7F, v12;
	v37 =	vadd.s32 v20, v37;
	v48 =	vpop (erf)  }
0xdb: {  	v12 =	vor.u32 v12, v37;
	[tilespmem:v16+s10+$0x0] =	vst.idx.msk $0xffff, v48  }
0xdc: {  	[tilespmem:v5+s10+$0x0] =	vst.idx.msk vm0, v18;
	v5 =	vor.u32 v21, v12;
	v18 =	vld [tilespmem:s16+$0x410]  }
0xdd: {  	v12 =	vld [tilespmem:s15+$0x4438]  }
0xde: {  	v16 =	vld [tilespmem:s16+$0x2410];
	_ =	sdelay $0x1  }
0xdf: {  	v49 =	vld [tilespmem:s15+$0x4430];
	v50 =	vpop (erf)  }
0xe0: {  	[tilespmem:v5+s10+$0x0] =	vst.idx.msk $0xffff, v50;
	v51 =	vmul.f32 $1.442695020e+00, v18  }
0xe1: {  	v12 =	vsel vm1, $0x0, v12;
	v5 =	vld [tilespmem:s14+$0x40]  }
0xe2: {  	v52 =	vld [tilespmem:s15+$0x4420];
	v12 =	vperm.xlane v12, v0;
	v16 =	vadd.s32 $0xFFFFFFFF, v16;
	(erf) = vpow2.f32 v51  }
0xe3: {  	v53 =	vld [tilespmem:s14+$0x2040];
	v54 =	vshll.u32 v16, $0x3  }
0xe4: {  	(xrf2) =	vadd.scan.msk.f32 $0xffff, v12;
	v12 =	vperm.xlane v49, v0;
	v55 =	vand.u32 $0xFFFFFC00, v54  }
0xe5: {  	v16 =	vand.u32 $0x7F, v16;
	v37 =	vadd.s32 v24, v55  }
0xe6: {  	v56 =	vld [tilespmem:s15+$0x4060];
	(xrf2) =	vadd.scan.msk.f32 $0xffff, v12;
	v12 =	vor.u32 v16, v37;
	v16 =	vmul.f32 $1.442695020e+00, v5  }
0xe7: {  	v57 =	vld [tilespmem:s15+$0x4410];
	v12 =	vor.u32 v23, v12  }
0xe8: {  	v41 =	vld [tilespmem:s15+$0x4400];
	v39 =	vperm.xlane v52, v0;
	v38 =	vadd.s32 $0xFFFFFFFF, v53;
	(erf) = vpow2.f32 v16  }
0xe9: {  	v43 =	vld [tilespmem:s15+$0x4050];
	v16 =	vshll.u32 v38, $0x3  }
0xea: {  	v45 =	vld [tilespmem:s15+$0x4030];
	(xrf2) =	vadd.scan.msk.f32 $0xffff, v39;
	v16 =	vand.u32 $0xFFFFFC00, v16  }
0xeb: {  	v26 =	vadd.f32 v26, v22;
	v22 =	vld [tilespmem:s15+$0x4020];
	v38 =	vand.u32 $0x7F, v38;
	v16 =	vadd.s32 v20, v16;
	v44 =	vpop (erf)  }
0xec: {  	v46 =	vld [tilespmem:s15+$0x4010];
	v37 =	vperm.xlane v57, v0;
	v16 =	vor.u32 v38, v16;
	[tilespmem:v12+s10+$0x0] =	vst.idx.msk $0xffff, v44  }
0xed: {  	v12 =	vor.u32 v21, v16;
	v16 =	vld [tilespmem:s16+$0x420]  }
0xee: {  	v42 =	vld [tilespmem:s15+$0x4070];
	v44 =	vadd.f32 v7, v6;
	v6, _, _ =	vpop (xrf2);
	(xrf2) =	vadd.scan.msk.f32 $0xffff, v37  }
0xef: {  	v43 =	vperm.xlane v43, v0;
	v59 =	vperm.xlane v6, v1;
	v60 =	vld [tilespmem:s16+$0x2420]  }
0xf0: {  	v58 =	vld [tilespmem:s15+$0x4040];
	v40 =	vperm.xlane v45, v0;
	v7 =	vadd.f32 v29, v27;
	v29 =	vperm.xlane v41, v0;
	v61, _, _ =	vpop (xrf2)  }
0xf1: {  	v47 =	vld [tilespmem:s15+$0x4000];
	v39 =	vperm.xlane v22, v0;
	v48 =	vnsel vm1, $0x3F800000, v6;
	v49 =	vadd.f32 v61, v59;
	v6 =	vpop (erf)  }
0xf2: {  	v38 =	vperm.xlane v46, v0;
	(xrf2) =	vadd.scan.msk.f32 $0xffff, v29;
	[tilespmem:v12+s10+$0x0] =	vst.idx.msk $0xffff, v6;
	v12 =	vmul.f32 $1.442695020e+00, v16  }
0xf3: {  	v27 =	vsel vm1, $0x0, v30;
	v30 =	vperm.xlane v42, v0;
	v29 =	vperm.xlane v49, v1  }
0xf4: {  	v42 =	vperm.xlane v56, v0;
	v22, _, _ =	vpop (xrf2);
	v62 =	vadd.s32 $0xFFFFFFFF, v60;
	v6 =	vld [tilespmem:s14+$0x50];
	(erf) = vpow2.f32 v12  }
0xf5: {  	v41 =	vperm.xlane v58, v0;
	v12 =	vadd.f32 v22, v29;
	v22 =	vld [tilespmem:s14+$0x2050];
	v29 =	vshll.u32 v62, $0x3  }
0xf6: {  	v37 =	vperm.xlane v47, v0;
	v17 =	vadd.f32 v17, v44;
	v29 =	vand.u32 $0xFFFFFC00, v29  }
0xf7: {  	(xrf2) =	vadd.scan.msk.f32 $0xffff, v30;
	v45 =	vand.u32 $0x7F, v62;
	v30 =	vperm.xlane v12, v1;
	v29 =	vadd.s32 v24, v29  }
0xf8: {  	s29 =	simm.s32 $0x180;
	s30 =	simm.s32 $0x300;
	v50 =	vand.u32 $0x7FFFFF, v48;
	v63 =	vshrl.u32 v48, $0x17;
	v57, _, _ =	vpop (xrf2);
	v29 =	vor.u32 v45, v29  }
0xf9: {  	s17 =	sand.u32 $0x1800, s30;
	s15 =	sand.u32 $0x380, s29;
	v17 =	vadd.f32 v19, v17;
	v30 =	vadd.f32 v57, v30;
	v29 =	vor.u32 v23, v29  }
0xfa: {  	s15 =	sor.u32 s15, s17;
	v56 =	vand.u32 $0x7FFFFF, v49;
	v51 =	vmul.f32 $1.442695020e+00, v6;
	v22 =	vadd.s32 $0xFFFFFFFF, v22  }
0xfb: {  	v61 =	vld [tilespmem:s15+$0x2000];
	v58 =	vshrl.u32 v49, $0x17;
	v59 =	vperm.xlane v30, v1;
	v52 =	vshll.u32 v22, $0x3  }
0xfc: {  	v46 =	vadd.s32 v58, v63;
	v60, _, _ =	vpop (xrf2);
	(erf) = vpow2.f32 v51;
	v51 =	vld [tilespmem:s15+$0x0];
	v52 =	vand.u32 $0xFFFFFC00, v52  }
0xfd: {  	v22 =	vand.u32 $0x7F, v22;
	v47 =	vadd.f32 v60, v59;
	v52 =	vadd.s32 v20, v52;
	v54 =	vpop (erf)  }
0xfe: {  	v17 =	vadd.f32 v25, v17;
	v53 =	vand.u32 $0x7FFFFF, v30;
	v22 =	vor.u32 v22, v52;
	[tilespmem:v29+s10+$0x0] =	vst.idx.msk $0xffff, v54  }
0xff: {  	v55 =	vshrl.u32 v30, $0x17;
	v30 =	vand.u32 $0x7FFFFF, v47;
	v52 =	vor.u32 v21, v22;
	v22 =	vld [tilespmem:s16+$0x430]  }
0x100: {  	v49 =	vadd.s32 $0xFFFFFFFF, v61;
	v48 =	vand.u32 $0x7FFFFF, v12;
	v12 =	vshrl.u32 v12, $0x17  }
0x101: {  	v45 =	vor.u32 $0x3F800000, v56;
	v29 =	vperm.xlane v47, v1;
	v62 =	vmul.f32 $1.442695020e+00, v51;
	v57 =	vld [tilespmem:s16+$0x2430]  }
0x102: {  	s31 =	simm.s32 $0x3;
	v46 =	vadd.s32 v12, v46;
	v12 =	vshll.u32 v49, $0x3;
	(xrf2) =	vadd.scan.msk.f32 $0xffff, v42;
	v42 =	vor.u32 $0x3F800000, v30;
	v30, _, _ =	vpop (xrf2)  }
0x103: {  	(erf) = vpow2.f32 v62;
	v56 =	vadd.f32 v30, v29;
	v29 =	vmov s31  }
0x104: {  	v49 =	vand.u32 $0x7F, v49;
	v30 =	vshll.u32 v29, $0x8;
	v58 =	vmul.f32 $1.442695020e+00, v22  }
0x105: {  	v12 =	vand.u32 $0xFFFFFC00, v12;
	v63 =	vpop (erf);
	v29 =	vshll.u32 v29, $0x7;
	v30 =	vand.u32 $0x1800, v30  }
0x106: {  	[tilespmem:v52+s10+$0x0] =	vst.idx.msk $0xffff, v63;
	v60 =	vadd.s32 $0xFFFFFFFF, v57;
	v59 =	vadd.s32 v30, v12;
	(erf) = vpow2.f32 v58  }
0x107: {  	v29 =	vand.u32 $0x380, v29;
	v12 =	vld [tilespmem:s14+$0x60];
	v61 =	vshll.u32 v60, $0x3;
	v49 =	vor.u32 v49, v59  }
0x108: {  	v46 =	vadd.s32 v55, v46;
	v55 =	vand.u32 $0xFFFFFC00, v61;
	v49 =	vor.u32 v29, v49  }
0x109: {  	v17 =	vadd.f32 v31, v17;
	v52 =	vld [tilespmem:s14+$0x2060];
	v54 =	vand.u32 $0x7F, v60;
	v55 =	vadd.s32 v24, v55  }
0x10a: {  	v54 =	vor.u32 v54, v55  }
0x10b: {  	v32 =	vadd.f32 v32, v17;
	(xrf2) =	vadd.scan.msk.f32 $0xffff, v43;
	v53 =	vor.u32 $0x3F800000, v53;
	v54 =	vor.u32 v23, v54  }
0x10c: {  	v47 =	vshrl.u32 v47, $0x17;
	v63 =	vand.u32 $0x7FFFFF, v56;
	v19 =	vmul.f32 $1.442695020e+00, v12;
	v60 =	vpop (erf)  }
0x10d: {  	v62 =	vperm.xlane v56, v1;
	v44 =	vshrl.u32 v56, $0x17;
	v25 =	vor.u32 $0x3F800000, v63;
	[tilespmem:v49+s10+$0x0] =	vst.idx.msk $0xffff, v60  }
0x10e: {  	v63 =	vor.u32 $0x3F800000, v50;
	v58, _, _ =	vpop (xrf2);
	v52 =	vadd.s32 $0xFFFFFFFF, v52;
	(erf) = vpow2.f32 v19;
	v55 =	vld [tilespmem:s15+$0x10]  }
0x10f: {  	v45 =	vmul.f32 v45, v63;
	v56 =	vadd.f32 v58, v62;
	v61 =	vshll.u32 v52, $0x3;
	v58 =	vpop (erf)  }
0x110: {  	v59 =	vor.u32 $0x3F800000, v48;
	v63 =	vadd.s32 v47, v46;
	v62 =	vand.u32 $0xFFFFFC00, v61;
	v31 =	vld [tilespmem:s15+$0x2010];
	[tilespmem:v54+s10+$0x0] =	vst.idx.msk $0xffff, v58  }
0x111: {  	v57 =	vand.u32 $0x7F, v52;
	v19 =	vand.u32 $0x7FFFFF, v56;
	v43 =	vadd.s32 v20, v62;
	v60 =	vld [tilespmem:s16+$0x2438]  }
0x112: {  	v49 =	vor.u32 $0x3F800000, v19;
	v19 =	vor.u32 v57, v43;
	v43 =	vmul.f32 v59, v45  }
0x113: {  	(xrf2) =	vadd.scan.msk.f32 $0xffff, v41;
	v41 =	vshrl.u32 v56, $0x17;
	v19 =	vor.u32 v21, v19;
	v50 =	vld [tilespmem:s16+$0x438];
	v61 =	vmul.f32 $1.442695020e+00, v55  }
0x114: {  	v62 =	vmul.f32 v53, v43;
	v43 =	vadd.s32 v44, v63;
	v54 =	vperm.xlane v56, v1  }
0x115: {  	v59, _, _ =	vpop (xrf2);
	v17 =	vadd.f32 v55, v51;
	v31 =	vadd.s32 $0xFFFFFFFF, v31;
	(erf) = vpow2.f32 v61  }
0x116: {  	v46 =	vadd.f32 v59, v54;
	v51 =	vshll.u32 v31, $0x3;
	v56 =	vadd.s32 $0xFFFFFFFF, v60  }
0x117: {  	(xrf2) =	vadd.scan.msk.f32 $0xffff, v40;
	v31 =	vand.u32 $0x7F, v31;
	v52 =	vand.u32 $0xFFFFFC00, v51;
	v53 =	vpop (erf);
	v58 =	vshll.u32 v56, $0x3  }
0x118: {  	v55 =	vadd.s32 v30, v52;
	[tilespmem:v19+s10+$0x0] =	vst.idx.msk $0xffff, v53;
	v57 =	vmul.f32 $1.442695020e+00, v50;
	v45 =	vand.u32 $0xFFFFFC00, v58  }
0x119: {  	v19 =	vor.u32 v31, v55;
	v31 =	vld [tilespmem:s14+$0x2070];
	v44 =	vand.u32 $0x7F, v56;
	v24 =	vadd.s32 v24, v45  }
0x11a: {  	v60 =	vor.u32 v29, v19;
	v19 =	vld [tilespmem:s14+$0x70];
	(erf) = vpow2.f32 v57;
	v24 =	vor.u32 v44, v24  }
0x11b: {  	v36 =	vadd.f32 v36, v32;
	(xrf2) =	vadd.scan.msk.f32 $0xffff, v39  }
0x11c: {  	v41 =	vadd.s32 v41, v43;
	v32 =	vmul.f32 v42, v62;
	v61 =	vperm.xlane v46, v1  }
0x11d: {  	v62 =	vand.u32 $0x7FFFFF, v46;
	v63 =	vshrl.u32 v46, $0x17;
	v23 =	vor.u32 v23, v24;
	v24, _, _ =	vpop (xrf2)  }
0x11e: {  	v25 =	vmul.f32 v25, v32;
	v40 =	vor.u32 $0x3F800000, v62;
	v39 =	vadd.f32 v24, v61;
	v24 =	vpop (erf)  }
0x11f: {  	v31 =	vadd.s32 $0xFFFFFFFF, v31;
	v51 =	vmul.f32 $1.442695020e+00, v19;
	(xrf2) =	vadd.scan.msk.f32 $0xffff, v38;
	[tilespmem:v60+s10+$0x0] =	vst.idx.msk $0xffff, v24  }
0x120: {  	v62 =	vadd.s32 v63, v41;
	v52 =	vshll.u32 v31, $0x3;
	v54 =	vperm.xlane v39, v1;
	v24 =	vld [tilespmem:s15+$0x20]  }
0x121: {  	v25 =	vmul.f32 v49, v25;
	v53 =	vand.u32 $0xFFFFFC00, v52;
	v55, _, _ =	vpop (xrf2);
	(erf) = vpow2.f32 v51  }
0x122: {  	v31 =	vand.u32 $0x7F, v31;
	v32 =	vadd.s32 v20, v53;
	v57 =	vld [tilespmem:s15+$0x2020];
	v58 =	vadd.f32 v55, v54  }
0x123: {  	(xrf2) =	vadd.scan.msk.f32 $0xffff, v37;
	v56 =	vand.u32 $0x7FFFFF, v39;
	v31 =	vor.u32 v31, v32;
	v39 =	vshrl.u32 v39, $0x17;
	v60 =	vpop (erf)  }
0x124: {  	v59 =	vor.u32 $0x3F800000, v56;
	[tilespmem:v23+s10+$0x0] =	vst.idx.msk vm0, v60;
	v23 =	vmul.f32 v40, v25;
	v44 =	vperm.xlane v58, v1  }
0x125: {  	v63, _, _ =	vpop (xrf2);
	v31 =	vor.u32 v21, v31;
	v61 =	vshrl.u32 v58, $0x17;
	v47 =	vmul.f32 $1.442695020e+00, v24  }
0x126: {  	v48 =	vld [tilespmem:s16+$0x4438];
	v32 =	vand.u32 $0x7FFFFF, v58;
	v23 =	vmul.f32 v59, v23;
	v37 =	vadd.f32 v63, v44  }
0x127: {  	v25 =	vor.u32 $0x3F800000, v32;
	v49 =	vadd.s32 $0xFFFFFFFF, v57;
	(erf) = vpow2.f32 v47  }
0x128: {  	v40 =	vld [tilespmem:s16+$0x4420];
	v32 =	vadd.s32 v39, v62;
	v51 =	vshll.u32 v49, $0x3;
	v52 =	vperm.xlane v37, v1  }
0x129: {  	v53 =	vld [tilespmem:s16+$0x4410];
	v43 =	vadd.s32 v61, v32;
	v25 =	vmul.f32 v25, v23;
	v38 =	vand.u32 $0xFFFFFC00, v51;
	v54, _, _ =	vpop (xrf2)  }
0x12a: {  	v55 =	vld [tilespmem:s16+$0x4400];
	v23 =	vand.u32 $0x7F, v49;
	v56 =	vpop (erf);
	v38 =	vadd.s32 v30, v38;
	v45 =	vadd.f32 v54, v52  }
0x12b: {  	v58 =	vld [tilespmem:s16+$0x4070];
	v57 =	vand.u32 $0x7FFFFF, v37;
	[tilespmem:v31+s10+$0x0] =	vst.idx.msk $0xffff, v56;
	v31 =	vsel vm1, $0x0, v48;
	v23 =	vor.u32 v23, v38  }
0x12c: {  	v59 =	vor.u32 $0x3F800000, v57;
	v60 =	vor.u32 v29, v23;
	v23 =	vld [tilespmem:s14+$0x400];
	v62 =	vand.u32 $0x7FFFFF, v45  }
0x12d: {  	v48 =	vperm.xlane v31, v0;
	v61 =	vperm.xlane v45, v1;
	v31 =	vor.u32 $0x3F800000, v62  }
0x12e: {  	v28 =	vadd.f32 v28, v36;
	v56, _, _ =	vpop (xrf2);
	v63 =	vld [tilespmem:s14+$0x2400];
	v25 =	vmul.f32 v59, v25  }
0x12f: {  	v40 =	vperm.xlane v40, v0;
	v44 =	vperm.xlane v53, v0;
	v57 =	vld [tilespmem:s16+$0x4430];
	v46 =	vadd.f32 v56, v61  }
0x130: {  	v37 =	vshrl.u32 v37, $0x17;
	v49 =	vperm.xlane v55, v0;
	v25 =	vmul.f32 v31, v25;
	v31 =	vpop (erf)  }
0x131: {  	v47 =	vperm.xlane v58, v0;
	v58 =	vmul.f32 $1.442695020e+00, v23;
	v59 =	vand.u32 $0x7FFFFF, v46;
	[tilespmem:v60+s10+$0x0] =	vst.idx.msk $0xffff, v31  }
0x132: {  	v37 =	vadd.s32 v37, v43;
	v45 =	vshrl.u32 v45, $0x17;
	v60 =	vor.u32 $0x3F800000, v59;
	v31 =	vld [tilespmem:s15+$0x30]  }
0x133: {  	v38 =	vadd.s32 $0xFFFFFFFF, v63;
	(erf) = vpow2.f32 v58;
	v25 =	vmul.f32 v60, v25  }
0x134: {  	(xrf2) =	vadd.scan.msk.f32 $0xffff, v48;
	v37 =	vadd.s32 v45, v37;
	v39 =	vperm.xlane v57, v0;
	v62 =	vshll.u32 v38, $0x3;
	v63 =	vld [tilespmem:s15+$0x2030]  }
0x135: {  	v38 =	vand.u32 $0x7F, v38;
	v43 =	vand.u32 $0xFFFFFC00, v62;
	v53 =	vand.u32 $0x7FFFFF, v25  }
0x136: {  	v61 =	vshrl.u32 v46, $0x17;
	(xrf2) =	vadd.scan.msk.f32 $0xffff, v39;
	v52 =	vadd.s32 v20, v43;
	v43 =	vor.u32 $0x3F800000, v53  }
0x137: {  	v38 =	vor.u32 v38, v52;
	v56 =	vmul.f32 $5.000000000e-01, v43;
	v55 =	vmul.f32 $1.442695020e+00, v31  }
0x138: {  	v42 =	vld [tilespmem:s16+$0x4060];
	v38 =	vor.u32 v21, v38;
	v25 =	vshrl.u32 v25, $0x17;
	vm3 =	vgt.f32 v43, $1.414213540e+00  }
0x139: {  	v48 =	vld [tilespmem:s16+$0x4040];
	v41 =	vadd.s32 $0xFFFFFFFF, v63;
	v46 =	vsel vm3, v56, v43;
	(erf) = vpow2.f32 v55  }
0x13a: {  	v45 =	vld [tilespmem:s16+$0x4010];
	(xrf2) =	vadd.scan.msk.f32 $0xffff, v40;
	v25 =	vadd.s32 $0xFFFFFF81, v25;
	v57 =	vshll.u32 v41, $0x3;
	v60 =	vadd.f32 $1.000000000e+00, v46  }
0x13b: {  	v37 =	vadd.s32 v61, v37;
	v52 =	vld [tilespmem:s16+$0x4030];
	v25 =	vcvt.s32.f32 v25;
	v58 =	vand.u32 $0xFFFFFC00, v57  }
0x13c: {  	v39 =	vld [tilespmem:s16+$0x4050];
	v41 =	vand.u32 $0x7F, v41;
	v61 =	vpop (erf);
	v40 =	vadd.s32 v30, v58;
	(erf) = vrcp.f32 v60  }
0x13d: {  	v54 =	vperm.xlane v42, v0;
	v53 =	vld [tilespmem:s16+$0x4000];
	v59 =	vsel vm3, $0x3F800000, v2;
	[tilespmem:v38+s10+$0x0] =	vst.idx.msk $0xffff, v61;
	v62 =	vor.u32 v41, v40  }
0x13e: {  	v37 =	vadd.s32 $0xFFFFF98D, v37;
	v63, _, _ =	vpop (xrf2);
	(xrf2) =	vadd.scan.msk.f32 $0xffff, v44;
	v42 =	vadd.f32 v25, v59;
	v25 =	vld [tilespmem:s14+$0x410];
	v55 =	vor.u32 v29, v62  }
0x13f: {  	v32 =	vsel vm1, $0x0, v50;
	v40 =	vcvt.s32.f32 v37;
	v37 =	vperm.xlane v63, v1;
	v56 =	vld [tilespmem:s14+$0x2410]  }
0x140: {  	v51 =	vperm.xlane v48, v0;
	v44 =	vperm.xlane v52, v0;
	v46 =	vadd.f32 $-1.000000000e+00, v46;
	v61, _, _ =	vpop (xrf2)  }
0x141: {  	v43 =	vld [tilespmem:s16+$0x4020];
	v42 =	vmul.f32 $6.931471820e-01, v42;
	v38 =	vperm.xlane v39, v0;
	v36 =	vadd.f32 v61, v37  }
0x142: {  	v60 =	vnsel vm1, $0x3F800000, v63;
	v41 =	vperm.xlane v45, v0;
	v39 =	vperm.xlane v53, v0;
	(xrf2) =	vadd.scan.msk.f32 $0xffff, v49;
	v62 =	vpop (erf)  }
0x143: {  	v49 =	vadd.f32 v33, v28;
	v57 =	vperm.xlane v36, v1;
	v63 =	vmul.f32 $1.442695020e+00, v25;
	[tilespmem:v55+s10+$0x0] =	vst.idx.msk $0xffff, v62  }
0x144: {  	v50 =	vand.u32 $0x7FFFFF, v60;
	v45 =	vshrl.u32 v60, $0x17;
	v58, _, _ =	vpop (xrf2);
	v28 =	vadd.s32 $0xFFFFFFFF, v56;
	v55 =	vld [tilespmem:s15+$0x2040]  }
0x145: {  	v37 =	vadd.f32 v58, v57;
	v59 =	vshll.u32 v28, $0x3;
	(erf) = vpow2.f32 v63;
	v33 =	vld [tilespmem:s15+$0x40];
	v61 =	vpop (erf)  }
0x146: {  	v43 =	vperm.xlane v43, v0;
	v53 =	vand.u32 $0xFFFFFC00, v59;
	v59 =	vmul.f32 v61, v46  }
0x147: {  	(xrf2) =	vadd.scan.msk.f32 $0xffff, v47;
	v28 =	vand.u32 $0x7F, v28;
	v62 =	vperm.xlane v37, v1;
	v53 =	vadd.s32 v20, v53  }
0x148: {  	v60 =	vand.u32 $0x7FFFFF, v36;
	v28 =	vor.u32 v28, v53;
	v63, _, _ =	vpop (xrf2);
	v56 =	vmul.f32 v59, v59  }
0x149: {  	v36 =	vshrl.u32 v36, $0x17;
	v28 =	vor.u32 v21, v28;
	v46 =	vadd.f32 v63, v62  }
0x14a: {  	v57 =	vadd.s32 $0xFFFFFFFF, v55;
	v58 =	vmul.f32 $1.442695020e+00, v33;
	v61 =	vmul.f32 $1.111111120e-01, v56  }
0x14b: {  	v34 =	vadd.f32 v34, v49;
	v52 =	vor.u32 $0x3F800000, v60;
	v36 =	vadd.s32 v36, v45;
	(xrf2) =	vadd.scan.msk.f32 $0xffff, v54  }
0x14c: {  	v62 =	vperm.xlane v46, v1;
	v60 =	vshll.u32 v57, $0x3;
	v54 =	vadd.f32 $1.428571490e-01, v61  }
0x14d: {  	v63 =	vand.u32 $0x7F, v57;
	v45 =	vand.u32 $0xFFFFFC00, v60;
	(erf) = vpow2.f32 v58;
	v57, _, _ =	vpop (xrf2)  }
0x14e: {  	v45 =	vadd.s32 v30, v45;
	v58 =	vpop (erf);
	v48 =	vadd.f32 v57, v62;
	v47 =	vmul.f32 v54, v56  }
0x14f: {  	v53 =	vand.u32 $0x7FFFFF, v37;
	v37 =	vshrl.u32 v37, $0x17;
	v45 =	vor.u32 v63, v45;
	[tilespmem:v28+s10+$0x0] =	vst.idx.msk $0xffff, v58  }
0x150: {  	v62 =	vand.u32 $0x7FFFFF, v46;
	v28 =	vld [tilespmem:s14+$0x420];
	v54 =	vperm.xlane v48, v1;
	v47 =	vadd.f32 $2.000000030e-01, v47  }
0x151: {  	v63, _, _ =	vpop (xrf2);
	v45 =	vor.u32 v29, v45;
	v55 =	vor.u32 $0x3F800000, v62;
	v58 =	vshrl.u32 v46, $0x17;
	v61 =	vld [tilespmem:s14+$0x2420]  }
0x152: {  	v46 =	vand.u32 $0x7FFFFF, v48;
	v54 =	vadd.f32 v63, v54;
	v62 =	vmul.f32 v47, v56  }
0x153: {  	v36 =	vadd.s32 v37, v36;
	v60 =	vmul.f32 v56, v59;
	v57 =	vor.u32 $0x3F800000, v46  }
0x154: {  	v46 =	vshrl.u32 v48, $0x17;
	v48 =	vadd.s32 v58, v36;
	v37 =	vperm.xlane v54, v1  }
0x155: {  	v58, _, _ =	vpop (xrf2);
	v47 =	vshrl.u32 v54, $0x17;
	v63 =	vand.u32 $0x7FFFFF, v54;
	v36 =	vadd.f32 $3.333333430e-01, v62  }
0x156: {  	v56 =	vmul.f32 $1.442695020e+00, v28;
	v54 =	vor.u32 $0x3F800000, v63;
	v61 =	vadd.s32 $0xFFFFFFFF, v61;
	v62 =	vpop (erf)  }
0x157: {  	v49 =	vadd.f32 v58, v37;
	v58 =	vadd.f32 v35, v34;
	v37 =	vshll.u32 v61, $0x3;
	[tilespmem:v45+s10+$0x0] =	vst.idx.msk $0xffff, v62  }
0x158: {  	v35 =	vmul.f32 v36, v60;
	(erf) = vpow2.f32 v56;
	v63 =	vand.u32 $0xFFFFFC00, v37;
	v34 =	vld [tilespmem:s15+$0x50]  }
0x159: {  	v45 =	vand.u32 $0x7F, v61;
	v37 =	vand.u32 $0x7FFFFF, v49;
	v60 =	vadd.s32 v20, v63;
	v36 =	vld [tilespmem:s15+$0x2050]  }
0x15a: {  	s20 =	simm.s32 $0x4;
	s17 =	simm.s32 $0x400;
	s16 =	simm.s32 $0x200;
	v59 =	vadd.f32 v35, v59;
	v35 =	vimm.f32 $0.0e+00;
	v56 =	vor.u32 $0x3F800000, v37  }
.LBB2_2:
0x15b: {  	s19 =	sand.u32 $0x1800, s17  }
0x15c: {  	s21 =	sand.u32 $0x380, s16;
	v37 =	vshrl.u32 v49, $0x17;
	v58 =	vadd.f32 v27, v58;
	v27 =	vmov v32;
	s22 =	smov.u32 s20;
	s18 =	sadd.s32 $0x1, s20  }
0x15d: {  	p0 =	sne.s32 s20, $0x1F;
	v45 =	vor.u32 v45, v60;
	s19 =	sor.u32 s21, s19;
	v32 =	vmul.f32 $1.442695020e+00, v34;
	v59 =	vadd.f32 v59, v59  }
0x15e: {  	v40 =	vmul.f32 $6.931471820e-01, v40;
	v45 =	vor.u32 v21, v45;
	v60 =	vld [tilespmem:s19+$0x2000];
	v36 =	vadd.s32 $0xFFFFFFFF, v36  }
0x15f: {  	v61 =	vld [tilespmem:s19+$0x0];
	v62 =	vshll.u32 v36, $0x3;
	(erf) = vpow2.f32 v32;
	v32 =	vadd.f32 v59, v42  }
0x160: {  	v35 =	vsub.f32 v35, v58;
	v42 =	vand.u32 $0xFFFFFC00, v62  }
0x161: {  	v36 =	vand.u32 $0x7F, v36;
	v42 =	vadd.s32 v30, v42;
	v32 =	vadd.f32 v32, v40  }
0x162: {  	v36 =	vor.u32 v36, v42;
	v40 =	vpop (erf)  }
0x163: {  	v42 =	vmov s22;
	v58 =	vadd.s32 $0xFFFFFFFF, v60;
	v59 =	vor.u32 v29, v36;
	[tilespmem:v45+s10+$0x0] =	vst.idx.msk $0xffff, v40  }
0x164: {  	v40 =	vshll.u32 v42, $0x8;
	v35 =	vadd.f32 v32, v35;
	v45 =	vshll.u32 v58, $0x3;
	v36 =	vld [tilespmem:s14+$0x430]  }
0x165: {  	v32 =	vmul.f32 $1.442695020e+00, v61;
	v40 =	vand.u32 $0x1800, v40;
	v45 =	vand.u32 $0xFFFFFC00, v45;
	v60 =	vld [tilespmem:s14+$0x2430]  }
0x166: {  	v45 =	vadd.s32 v40, v45  }
0x167: {  	(erf) = vpow2.f32 v32  }
0x168: {  	v42 =	vshll.u32 v42, $0x7;
	v32 =	vand.u32 $0x7F, v58;
	v58 =	vpop (erf)  }
0x169: {  	v42 =	vand.u32 $0x380, v42;
	v32 =	vor.u32 v32, v45;
	[tilespmem:v59+s10+$0x0] =	vst.idx.msk $0xffff, v58;
	v45 =	vmul.f32 $1.442695020e+00, v36  }
0x16a: {  	v32 =	vor.u32 v42, v32;
	v58 =	vld [tilespmem:s15+$0x60];
	v59 =	vadd.s32 $0xFFFFFFFF, v60  }
0x16b: {  	v60 =	vld [tilespmem:s15+$0x2060];
	v62 =	vshll.u32 v59, $0x3;
	(erf) = vpow2.f32 v45  }
0x16c: {  	v45 =	vand.u32 $0xFFFFFC00, v62;
	v62 =	vadd.f32 v8, v26;
	v26 =	vmovc v7;
	v7 =	vmovc v17;
	v8 =	vmov v3  }
0x16d: {  	v17 =	vand.u32 $0x7F, v59;
	v3 =	vmov v24;
	v45 =	vadd.s32 v20, v45  }
0x16e: {  	v17 =	vor.u32 v17, v45;
	v24 =	vadd.f32 v9, v62;
	v9 =	vmovc v4;
	v4 =	vmov v31  }
0x16f: {  	v31 =	vmul.f32 $1.442695020e+00, v58;
	v17 =	vor.u32 v21, v17  }
0x170: {  	v45 =	vpop (erf);
	v59 =	vadd.s32 $0xFFFFFFFF, v60;
	v24 =	vadd.f32 v10, v24;
	v10 =	vmov v5  }
0x171: {  	v5 =	vmov v33;
	[tilespmem:v32+s10+$0x0] =	vst.idx.msk $0xffff, v45;
	v32 =	vshll.u32 v59, $0x3;
	(erf) = vpow2.f32 v31  }
0x172: {  	v31 =	vld [tilespmem:s19+$0x10];
	v32 =	vand.u32 $0xFFFFFC00, v32;
	v24 =	vadd.f32 v11, v24;
	(xrf2) =	vadd.scan.msk.f32 $0xffff, v38;
	v11 =	vmovc v6;
	v6 =	vmov v34  }
0x173: {  	v45 =	vand.u32 $0x7F, v59;
	v38 =	vor.u32 $0x3F800000, v50;
	v34 =	vld [tilespmem:s19+$0x2010];
	v32 =	vadd.s32 v30, v32  }
0x174: {  	v38 =	vmul.f32 v52, v38;
	v32 =	vor.u32 v45, v32;
	v33 =	vpop (erf)  }
0x175: {  	v24 =	vadd.f32 v13, v24;
	v32 =	vor.u32 v29, v32;
	[tilespmem:v17+s10+$0x0] =	vst.idx.msk $0xffff, v33;
	v17 =	vor.u32 $0x3F800000, v53  }
0x176: {  	v13 =	vmovc v12;
	v12 =	vmov v58;
	v45 =	vld [tilespmem:s14+$0x2438];
	v38 =	vmul.f32 v17, v38;
	(xrf2) =	vadd.scan.msk.f32 $0xffff, v51  }
0x177: {  	v33 =	vadd.f32 v14, v24;
	v14 =	vmovc v19;
	v50 =	vmul.f32 $1.442695020e+00, v31;
	v17 =	vadd.f32 v31, v61;
	v31 =	vld [tilespmem:s14+$0x438]  }
0x178: {  	v19 =	vadd.s32 $0xFFFFFFFF, v34;
	v24 =	vmul.f32 v55, v38;
	v34 =	vadd.s32 v46, v48  }
0x179: {  	v38 =	vshll.u32 v19, $0x3;
	(erf) = vpow2.f32 v50;
	v34 =	vadd.s32 v47, v34  }
0x17a: {  	v47 =	vperm.xlane v49, v1;
	v38 =	vand.u32 $0xFFFFFC00, v38;
	v46 =	vpop (erf);
	v24 =	vmul.f32 v57, v24;
	(xrf2) =	vadd.scan.msk.f32 $0xffff, v44  }
0x17b: {  	v19 =	vand.u32 $0x7F, v19;
	v38 =	vadd.s32 v40, v38;
	[tilespmem:v32+s10+$0x0] =	vst.idx.msk $0xffff, v46;
	v32 =	vadd.s32 $0xFFFFFFFF, v45  }
0x17c: {  	v19 =	vor.u32 v19, v38;
	v38 =	vld [tilespmem:s15+$0x2070];
	v44 =	vmul.f32 $1.442695020e+00, v31;
	v45 =	vshll.u32 v32, $0x3;
	v46, _, _ =	vpop (xrf2)  }
0x17d: {  	v48 =	vor.u32 v42, v19;
	v19 =	vld [tilespmem:s15+$0x70];
	v45 =	vand.u32 $0xFFFFFC00, v45;
	v46 =	vadd.f32 v46, v47  }
0x17e: {  	v32 =	vand.u32 $0x7F, v32;
	v45 =	vadd.s32 v20, v45;
	(erf) = vpow2.f32 v44;
	(xrf2) =	vadd.scan.msk.f32 $0xffff, v43;
	v20 =	vmovc v30  }
0x17f: {  	v30 =	vmovc v40;
	v32 =	vor.u32 v32, v45;
	v43 =	vperm.xlane v46, v1;
	v44 =	vand.u32 $0x7FFFFF, v46  }
0x180: {  	v40 =	vshrl.u32 v46, $0x17;
	v32 =	vor.u32 v21, v32;
	v44 =	vor.u32 $0x3F800000, v44;
	v21, _, _ =	vpop (xrf2)  }
0x181: {  	v34 =	vadd.s32 v37, v34;
	v38 =	vadd.s32 $0xFFFFFFFF, v38;
	v43 =	vadd.f32 v21, v43;
	v21 =	vmovc v29;
	v29 =	vmovc v42  }
0x182: {  	v46 =	vmul.f32 v54, v24;
	v37 =	vpop (erf);
	v42 =	vmul.f32 $1.442695020e+00, v19;
	v45 =	vshll.u32 v38, $0x3;
	(xrf2) =	vadd.scan.msk.f32 $0xffff, v41  }
0x183: {  	[tilespmem:v48+s10+$0x0] =	vst.idx.msk $0xffff, v37;
	v37 =	vand.u32 $0xFFFFFC00, v45;
	v41 =	vperm.xlane v43, v1;
	v45 =	vand.u32 $0x7FFFFF, v43  }
0x184: {  	v38 =	vand.u32 $0x7F, v38;
	v24 =	vld [tilespmem:s19+$0x20];
	v37 =	vadd.s32 v20, v37;
	v45 =	vor.u32 $0x3F800000, v45;
	v47, _, _ =	vpop (xrf2)  }
0x185: {  	v48 =	vld [tilespmem:s19+$0x2020];
	v37 =	vor.u32 v38, v37;
	(erf) = vpow2.f32 v42;
	v38 =	vadd.f32 v47, v41  }
0x186: {  	v41 =	vmul.f32 v56, v46;
	v42 =	vshrl.u32 v43, $0x17;
	v37 =	vor.u32 v21, v37  }
0x187: {  	v43 =	vpop (erf);
	v46 =	vperm.xlane v38, v1;
	v47 =	vshrl.u32 v38, $0x17;
	v38 =	vand.u32 $0x7FFFFF, v38;
	(xrf2) =	vadd.scan.msk.f32 $0xffff, v39  }
0x188: {  	v34 =	vadd.s32 v40, v34;
	[tilespmem:v32+s10+$0x0] =	vst.idx.msk vm0, v43;
	v32 =	vmul.f32 v44, v41;
	v38 =	vor.u32 $0x3F800000, v38;
	v39, _, _ =	vpop (xrf2)  }
0x189: {  	v34 =	vadd.s32 v42, v34;
	v40 =	vmul.f32 $1.442695020e+00, v24;
	v41 =	vld [tilespmem:s14+$0x4438];
	v39 =	vadd.f32 v39, v46  }
0x18a: {  	v44 =	vadd.s32 v47, v34;
	v42 =	vadd.s32 $0xFFFFFFFF, v48;
	v43 =	vld [tilespmem:s14+$0x4060];
	v32 =	vmul.f32 v45, v32  }
0x18b: {  	v34 =	vshll.u32 v42, $0x3;
	(erf) = vpow2.f32 v40;
	v40 =	vld [tilespmem:s14+$0x4420];
	v45 =	vperm.xlane v39, v1  }
0x18c: {  	v34 =	vand.u32 $0xFFFFFC00, v34;
	v46 =	vld [tilespmem:s14+$0x4410];
	v32 =	vmul.f32 v38, v32;
	v38 =	vand.u32 $0x7FFFFF, v39;
	v47, _, _ =	vpop (xrf2)  }
0x18d: {  	v49 =	vand.u32 $0x7F, v42;
	v34 =	vadd.s32 v30, v34;
	v48 =	vld [tilespmem:s14+$0x4400];
	v45 =	vadd.f32 v47, v45  }
0x18e: {  	v38 =	vor.u32 $0x3F800000, v38;
	v34 =	vor.u32 v49, v34;
	v42 =	vpop (erf);
	v41 =	vsel vm1, $0x0, v41;
	v47 =	vld [tilespmem:s14+$0x4070]  }
0x18f: {  	v49 =	vor.u32 v29, v34;
	[tilespmem:v37+s10+$0x0] =	vst.idx.msk $0xffff, v42;
	v37 =	vld [tilespmem:s14+$0x4430];
	v34 =	vperm.xlane v45, v1;
	v42 =	vand.u32 $0x7FFFFF, v45  }
0x190: {  	v32 =	vmul.f32 v38, v32;
	v41 =	vperm.xlane v41, v0;
	v52 =	vld [tilespmem:s15+$0x400];
	v38 =	vor.u32 $0x3F800000, v42  }
0x191: {  	v39 =	vshrl.u32 v39, $0x17;
	v40 =	vperm.xlane v40, v0;
	v42 =	vld [tilespmem:s15+$0x2400];
	v46 =	vperm.xlane v46, v0;
	v50, _, _ =	vpop (xrf2)  }
0x192: {  	v38 =	vmul.f32 v38, v32;
	v48 =	vperm.xlane v48, v0;
	v51 =	vld [tilespmem:s14+$0x4050];
	(xrf2) =	vadd.scan.msk.f32 $0xffff, v41;
	v41 =	vadd.f32 v50, v34  }
0x193: {  	v32 =	vsel vm1, $0x0, v31;
	v34 =	vperm.xlane v43, v0;
	v47 =	vperm.xlane v47, v0;
	v53 =	vld [tilespmem:s14+$0x4010]  }
0x194: {  	v39 =	vadd.s32 v39, v44;
	v43 =	vshrl.u32 v45, $0x17;
	v31 =	vpop (erf);
	v54 =	vld [tilespmem:s14+$0x4000];
	v45 =	vand.u32 $0x7FFFFF, v41  }
0x195: {  	v39 =	vadd.s32 v43, v39;
	[tilespmem:v49+s10+$0x0] =	vst.idx.msk $0xffff, v31;
	v44 =	vmul.f32 $1.442695020e+00, v52;
	v49 =	vld [tilespmem:s14+$0x4040];
	v45 =	vor.u32 $0x3F800000, v45  }
0x196: {  	v41 =	vshrl.u32 v41, $0x17;
	v31 =	vld [tilespmem:s19+$0x30];
	v42 =	vadd.s32 $0xFFFFFFFF, v42;
	v38 =	vmul.f32 v45, v38  }
0x197: {  	v39 =	vadd.s32 v41, v39;
	v43 =	vld [tilespmem:s19+$0x2030];
	v45 =	vshll.u32 v42, $0x3;
	(erf) = vpow2.f32 v44  }
0x198: {  	v37 =	vperm.xlane v37, v0;
	v41 =	vand.u32 $0xFFFFFC00, v45;
	v44 =	vld [tilespmem:s14+$0x4030];
	v45 =	vand.u32 $0x7FFFFF, v38  }
0x199: {  	v42 =	vand.u32 $0x7F, v42;
	v38 =	vshrl.u32 v38, $0x17;
	v41 =	vadd.s32 v20, v41;
	v55 =	vld [tilespmem:s14+$0x4020];
	s14 =	smov.u32 s15;
	s15 =	smov.u32 s19  }
0x19a: {  	v39 =	vadd.s32 $0xFFFFF98D, v39;
	v38 =	vadd.s32 $0xFFFFFF81, v38;
	v41 =	vor.u32 v42, v41  }
0x19b: {  	v42 =	vmul.f32 $1.442695020e+00, v31;
	v41 =	vor.u32 v21, v41;
	(xrf2) =	vadd.scan.msk.f32 $0xffff, v37;
	v37 =	vor.u32 $0x3F800000, v45  }
0x19c: {  	v43 =	vadd.s32 $0xFFFFFFFF, v43;
	v45, _, _ =	vpop (xrf2);
	vm3 =	vgt.f32 v37, $1.414213540e+00;
	v50 =	vmul.f32 $5.000000000e-01, v37  }
0x19d: {  	v38 =	vcvt.s32.f32 v38;
	v56 =	vshll.u32 v43, $0x3;
	(erf) = vpow2.f32 v42  }
0x19e: {  	v42 =	vand.u32 $0xFFFFFC00, v56;
	(xrf2) =	vadd.scan.msk.f32 $0xffff, v40;
	v37 =	vsel vm3, v50, v37;
	v50 =	vsel vm3, $0x3F800000, v2  }
0x19f: {  	v40 =	vand.u32 $0x7F, v43;
	v42 =	vadd.s32 v30, v42;
	v43 =	vadd.f32 $1.000000000e+00, v37  }
0x1a0: {  	v42 =	vor.u32 v40, v42;
	v56 =	vpop (erf);
	v40 =	vcvt.s32.f32 v39;
	v39 =	vadd.f32 v38, v50  }
0x1a1: {  	v57 =	vor.u32 v29, v42;
	[tilespmem:v41+s10+$0x0] =	vst.idx.msk $0xffff, v56;
	v56 =	vnsel vm1, $0x3F800000, v45;
	(erf) = vrcp.f32 v43  }
0x1a2: {  	v38 =	vperm.xlane v51, v0;
	v58 =	vld [tilespmem:s14+$0x410];
	v50 =	vand.u32 $0x7FFFFF, v56;
	v42 =	vmul.f32 $6.931471820e-01, v39  }
0x1a3: {  	v44 =	vperm.xlane v44, v0;
	v51 =	vperm.xlane v49, v0;
	v59 =	vld [tilespmem:s14+$0x2410];
	(xrf2) =	vadd.scan.msk.f32 $0xffff, v46  }
0x1a4: {  	v33 =	vadd.f32 v15, v33;
	v15 =	vmovc v23;
	v45 =	vperm.xlane v45, v1;
	v43 =	vperm.xlane v55, v0  }
0x1a5: {  	v23 =	vmov v52;
	v41 =	vperm.xlane v53, v0;
	v39 =	vperm.xlane v54, v0;
	v46, _, _ =	vpop (xrf2)  }
0x1a6: {  	v54 =	vshrl.u32 v56, $0x17;
	v56 =	vadd.f32 v18, v33;
	v49 =	vpop (erf);
	v45 =	vadd.f32 v46, v45  }
0x1a7: {  	v37 =	vadd.f32 $-1.000000000e+00, v37;
	v18 =	vmovc v25;
	[tilespmem:v57+s10+$0x0] =	vst.idx.msk $0xffff, v49;
	v46 =	vmul.f32 $1.442695020e+00, v58;
	(xrf2) =	vadd.scan.msk.f32 $0xffff, v48  }
0x1a8: {  	v33 =	vld [tilespmem:s15+$0x40];
	v48 =	vadd.s32 $0xFFFFFFFF, v59;
	v49 =	vperm.xlane v45, v1;
	v59 =	vand.u32 $0x7FFFFF, v45;
	v53, _, _ =	vpop (xrf2)  }
0x1a9: {  	v25 =	vmovc v58;
	v55 =	vld [tilespmem:s15+$0x2040];
	v57 =	vshll.u32 v48, $0x3;
	(erf) = vpow2.f32 v46;
	v52 =	vor.u32 $0x3F800000, v59  }
0x1aa: {  	v45 =	vshrl.u32 v45, $0x17;
	v46 =	vand.u32 $0xFFFFFC00, v57;
	v49 =	vadd.f32 v53, v49;
	v53 =	vpop (erf)  }
0x1ab: {  	v48 =	vand.u32 $0x7F, v48;
	v46 =	vadd.s32 v20, v46;
	(xrf2) =	vadd.scan.msk.f32 $0xffff, v47;
	v37 =	vmul.f32 v53, v37  }
0x1ac: {  	v46 =	vor.u32 v48, v46;
	v47 =	vperm.xlane v49, v1;
	v53 =	vand.u32 $0x7FFFFF, v49  }
0x1ad: {  	v48 =	vmul.f32 $1.442695020e+00, v33;
	v46 =	vor.u32 v21, v46;
	v57, _, _ =	vpop (xrf2);
	v58 =	vmul.f32 v37, v37  }
0x1ae: {  	v45 =	vadd.s32 v45, v54;
	v55 =	vadd.s32 $0xFFFFFFFF, v55;
	v47 =	vadd.f32 v57, v47  }
0x1af: {  	v54 =	vshll.u32 v55, $0x3;
	(erf) = vpow2.f32 v48;
	(xrf2) =	vadd.scan.msk.f32 $0xffff, v34;
	v34 =	vmul.f32 $1.111111120e-01, v58  }
0x1b0: {  	v59 =	vmul.f32 v58, v37;
	v48 =	vand.u32 $0xFFFFFC00, v54;
	v54 =	vperm.xlane v47, v1  }
0x1b1: {  	v60 =	vand.u32 $0x7F, v55;
	v48 =	vadd.s32 v30, v48;
	v57, _, _ =	vpop (xrf2);
	v34 =	vadd.f32 $1.428571490e-01, v34  }
0x1b2: {  	v48 =	vor.u32 v60, v48;
	v55 =	vpop (erf);
	v60 =	vand.u32 $0x7FFFFF, v47;
	v54 =	vadd.f32 v57, v54  }
0x1b3: {  	v61 =	vor.u32 v29, v48;
	[tilespmem:v46+s10+$0x0] =	vst.idx.msk $0xffff, v55;
	v55 =	vor.u32 $0x3F800000, v60;
	v34 =	vmul.f32 v34, v58  }
0x1b4: {  	v47 =	vshrl.u32 v47, $0x17;
	v60 =	vld [tilespmem:s14+$0x420];
	v48 =	vperm.xlane v54, v1;
	v46 =	vand.u32 $0x7FFFFF, v54  }
0x1b5: {  	v49 =	vshrl.u32 v49, $0x17;
	v62 =	vld [tilespmem:s14+$0x2420];
	v57 =	vor.u32 $0x3F800000, v46;
	v63, _, _ =	vpop (xrf2);
	v34 =	vadd.f32 $2.000000030e-01, v34  }
0x1b6: {  	v45 =	vadd.s32 v49, v45;
	v46 =	vshrl.u32 v54, $0x17;
	v54 =	vadd.f32 v63, v48  }
0x1b7: {  	v48 =	vadd.s32 v47, v45;
	v45 =	vadd.f32 v16, v56;
	v16 =	vmovc v28;
	v34 =	vmul.f32 v34, v58  }
0x1b8: {  	v28 =	vpop (erf);
	v49 =	vperm.xlane v54, v1;
	v47 =	vshrl.u32 v54, $0x17;
	v54 =	vand.u32 $0x7FFFFF, v54  }
.Ltmp0:
0x1b9: {  	[tilespmem:v61+s10+$0x0] =	vst.idx.msk $0xffff, v28;
	v56 =	vmul.f32 $1.442695020e+00, v60;
	v54 =	vor.u32 $0x3F800000, v54;
	v28, _, _ =	vpop (xrf2);
	v61 =	vadd.f32 $3.333333430e-01, v34;
	(pc) =	sbr.rel @p0 .LBB2_2-.Ltmp0, $4  }
0x1ba: {  	v58 =	vadd.f32 v22, v45;
	v22 =	vmovc v36;
	v34 =	vld [tilespmem:s15+$0x50];
	v62 =	vadd.s32 $0xFFFFFFFF, v62;
	v49 =	vadd.f32 v28, v49;
	v28 =	vmovc v60  }
0x1bb: {  	v36 =	vld [tilespmem:s15+$0x2050];
	v60 =	vshll.u32 v62, $0x3;
	(erf) = vpow2.f32 v56;
	v59 =	vmul.f32 v61, v59  }
0x1bc: {  	v45 =	vand.u32 $0x7F, v62;
	v56 =	vand.u32 $0xFFFFFC00, v60;
	v61 =	vand.u32 $0x7FFFFF, v49  }
0x1bd: {  	s16 =	sadd.s32 $0x80, s16;
	s17 =	sadd.s32 $0x100, s17;
	s20 =	smov.u32 s18;
	v60 =	vadd.s32 v20, v56;
	v56 =	vor.u32 $0x3F800000, v61;
	v59 =	vadd.f32 v59, v37  }
0x1be: {  	_ = 	snop  }
0x1bf: {  	v45 =	vor.u32 v45, v60  }
0x1c0: {  	v37 =	vmul.f32 $1.442695020e+00, v34;
	v45 =	vor.u32 v21, v45;
	_ =	sdelay $0x1  }
0x1c1: {  	v36 =	vadd.s32 $0xFFFFFFFF, v36;
	(erf) = vpow2.f32 v37  }
0x1c2: {  	v61 =	vshll.u32 v36, $0x3  }
0x1c3: {  	v37 =	vand.u32 $0xFFFFFC00, v61;
	v62 =	vpop (erf)  }
0x1c4: {  	v36 =	vand.u32 $0x7F, v36;
	v37 =	vadd.s32 v30, v37;
	[tilespmem:v45+s10+$0x0] =	vst.idx.msk $0xffff, v62  }
0x1c5: {  	v36 =	vor.u32 v36, v37;
	v37 =	vld [tilespmem:s14+$0x430]  }
0x1c6: {  	v36 =	vor.u32 v29, v36;
	_ =	sdelay $0x3  }
0x1c7: {  	v63 =	vpop (erf);
	[tilespmem:$0x1FFE0] =	vst v37  }
0x1c8: {  	[tilespmem:v36+s10+$0x0] =	vst.idx.msk $0xffff, v63  }
0x1c9: {  	v36 =	vld [tilespmem:s15+$0x60];
	_ =	sdelay $0x4  }
0x1ca: {  	[tilespmem:$0x1FFF0] =	vst v36  }
0x1cb: {  	v45 =	vld [tilespmem:s14+$0x2430]  }
0x1cc: {  	v60 =	vld [tilespmem:s15+$0x2060];
	_ =	sdelay $0x1  }
0x1cd: {  	v61 =	vmul.f32 $1.442695020e+00, v37  }
0x1ce: {  	v62 =	vmul.f32 $1.442695020e+00, v36  }
0x1cf: {  	(erf) = vpow2.f32 v61;
	v45 =	vadd.s32 $0xFFFFFFFF, v45  }
0x1d0: {  	(erf) = vpow2.f32 v62;
	v60 =	vadd.s32 $0xFFFFFFFF, v60;
	v36 =	vshll.u32 v45, $0x3  }
0x1d1: {  	v37 =	vshll.u32 v60, $0x3;
	v61 =	vand.u32 $0xFFFFFC00, v36  }
0x1d2: {  	v45 =	vand.u32 $0x7F, v45;
	v62 =	vand.u32 $0xFFFFFC00, v37;
	v61 =	vadd.s32 v20, v61  }
0x1d3: {  	v60 =	vand.u32 $0x7F, v60;
	v36 =	vadd.s32 v30, v62;
	v45 =	vor.u32 v45, v61  }
0x1d4: {  	v60 =	vor.u32 v60, v36;
	v45 =	vor.u32 v21, v45  }
0x1d5: {  	v60 =	vor.u32 v29, v60;
	_ =	sdelay $0x2  }
0x1d6: {  	v37 =	vpop (erf)  }
0x1d7: {  	(xrf2) =	vadd.scan.msk.f32 $0xffff, v38;
	v63 =	vpop (erf);
	[tilespmem:v45+s10+$0x0] =	vst.idx.msk $0xffff, v37  }
0x1d8: {  	[tilespmem:v60+s10+$0x0] =	vst.idx.msk $0xffff, v63;
	v45 =	vld [tilespmem:s14+$0x438]  }
0x1d9: {  	v38 =	vld [tilespmem:s15+$0x70];
	_ =	sdelay $0x1  }
0x1da: {  	(xrf2) =	vadd.scan.msk.f32 $0xffff, v51;
	v51 =	vld [tilespmem:s15+$0x2070];
	_ =	sdelay $0x1  }
0x1db: {  	(xrf2) =	vadd.scan.msk.f32 $0xffff, v44;
	v36 =	vmul.f32 $1.442695020e+00, v45  }
0x1dc: {  	v37 =	vmul.f32 $1.442695020e+00, v38  }
0x1dd: {  	(erf) = vpow2.f32 v36  }
0x1de: {  	v44 =	vperm.xlane v49, v1;
	v51 =	vadd.s32 $0xFFFFFFFF, v51;
	(erf) = vpow2.f32 v37  }
0x1df: {  	v60, _, _ =	vpop (xrf2);
	v36 =	vshll.u32 v51, $0x3  }
0x1e0: {  	v37 =	vor.u32 $0x3F800000, v50;
	v50 =	vadd.f32 v60, v44;
	v36 =	vand.u32 $0xFFFFFC00, v36  }
0x1e1: {  	(xrf2) =	vadd.scan.msk.f32 $0xffff, v43;
	v52 =	vmul.f32 v52, v37;
	v37 =	vand.u32 $0x7F, v51;
	v44 =	vadd.s32 v30, v36  }
0x1e2: {  	v60 =	vor.u32 $0x3F800000, v53;
	v61 =	vperm.xlane v50, v1;
	v43 =	vor.u32 v37, v44  }
0x1e3: {  	v63, _, _ =	vpop (xrf2);
	v62 =	vmul.f32 v60, v52;
	v43 =	vor.u32 v29, v43  }
0x1e4: {  	v52 =	vadd.f32 v63, v61  }
0x1e5: {  	(xrf2) =	vadd.scan.msk.f32 $0xffff, v41;
	v36, _, _ =	vpop (xrf2);
	v44 =	vmul.f32 v55, v62  }
0x1e6: {  	v51 =	vperm.xlane v52, v1;
	v61 =	vpop (erf)  }
0x1e7: {  	v44 =	vmul.f32 v57, v44;
	v37 =	vpop (erf)  }
0x1e8: {  	v55 =	vadd.f32 v36, v51;
	[tilespmem:v43+s10+$0x0] =	vst.idx.msk $0xffff, v37  }
0x1e9: {  	(xrf2) =	vadd.scan.msk.f32 $0xffff, v39;
	v57 =	vmul.f32 v54, v44;
	v39 =	vld [tilespmem:s15+$0x400]  }
0x1ea: {  	v60 =	vperm.xlane v55, v1  }
0x1eb: {  	v63, _, _ =	vpop (xrf2);
	v62 =	vand.u32 $0x7FFFFF, v50;
	v41 =	vmul.f32 v56, v57;
	v54 =	vld [tilespmem:s15+$0x2400]  }
0x1ec: {  	v36 =	vand.u32 $0x7FFFFF, v52;
	v44 =	vor.u32 $0x3F800000, v62;
	v51 =	vadd.f32 v63, v60  }
0x1ed: {  	v37 =	vor.u32 $0x3F800000, v36;
	v41 =	vmul.f32 v44, v41  }
0x1ee: {  	v60 =	vand.u32 $0x7FFFFF, v55;
	v62 =	vperm.xlane v51, v1;
	v63 =	vmul.f32 $1.442695020e+00, v39  }
0x1ef: {  	v36, _, _ =	vpop (xrf2);
	v44 =	vor.u32 $0x3F800000, v60;
	v41 =	vmul.f32 v37, v41  }
0x1f0: {  	v53 =	vadd.f32 v36, v62;
	v37 =	vadd.s32 $0xFFFFFFFF, v54;
	(erf) = vpow2.f32 v63  }
0x1f1: {  	v41 =	vmul.f32 v44, v41;
	v54 =	vshll.u32 v37, $0x3;
	v43 =	vand.u32 $0x7F, v37  }
0x1f2: {  	v63 =	vand.u32 $0x7FFFFF, v51;
	v56 =	vperm.xlane v53, v1;
	v54 =	vand.u32 $0xFFFFFC00, v54  }
0x1f3: {  	v36, _, _ =	vpop (xrf2);
	v57 =	vand.u32 $0x7FFFFF, v53;
	v44 =	vor.u32 $0x3F800000, v63;
	v37 =	vadd.s32 v30, v54  }
0x1f4: {  	v41 =	vmul.f32 v44, v41;
	v54 =	vadd.f32 v36, v56;
	v43 =	vor.u32 v43, v37  }
0x1f5: {  	v63 =	vor.u32 $0x3F800000, v57;
	v43 =	vor.u32 v29, v43  }
0x1f6: {  	v41 =	vmul.f32 v63, v41;
	v36 =	vand.u32 $0x7FFFFF, v54  }
0x1f7: {  	v44 =	vor.u32 $0x3F800000, v36  }
0x1f8: {  	v57 =	vmul.f32 v44, v41  }
0x1f9: {  	v37 =	vpop (erf)  }
0x1fa: {  	v44 =	vand.u32 $0x7FFFFF, v57;
	[tilespmem:v43+s10+$0x0] =	vst.idx.msk $0xffff, v37  }
0x1fb: {  	v56 =	vor.u32 $0x3F800000, v44;
	v41 =	vld [tilespmem:s15+$0x410]  }
0x1fc: {  	v44 =	vmul.f32 $5.000000000e-01, v56  }
0x1fd: {  	vm3 =	vgt.f32 v56, $1.414213540e+00;
	v36 =	vld [tilespmem:s15+$0x2410]  }
0x1fe: {  	v56 =	vsel vm3, v44, v56  }
0x1ff: {  	v43 =	vadd.f32 $1.000000000e+00, v56  }
0x200: {  	v37 =	vmul.f32 $1.442695020e+00, v41  }
0x201: {  	(erf) = vrcp.f32 v43  }
0x202: {  	v62 =	vadd.s32 $0xFFFFFFFF, v36;
	(erf) = vpow2.f32 v37  }
0x203: {  	v63 =	vshll.u32 v62, $0x3  }
0x204: {  	v44 =	vand.u32 $0xFFFFFC00, v63  }
0x205: {  	v43 =	vand.u32 $0x7F, v62;
	v44 =	vadd.s32 v30, v44  }
0x206: {  	v43 =	vor.u32 v43, v44  }
0x207: {  	v43 =	vor.u32 v29, v43;
	_ =	sdelay $0x2  }
0x208: {  	v60 =	vpop (erf)  }
0x209: {  	v36 =	vpop (erf)  }
0x20a: {  	[tilespmem:v43+s10+$0x0] =	vst.idx.msk $0xffff, v36  }
0x20b: {  	v43 =	vld [tilespmem:s15+$0x420];
	_ =	sdelay $0x1  }
0x20c: {  	v44 =	vld [tilespmem:s15+$0x2420];
	_ =	sdelay $0x2  }
0x20d: {  	v37 =	vmul.f32 $1.442695020e+00, v43;
	_ =	sdelay $0x1  }
0x20e: {  	v44 =	vadd.s32 $0xFFFFFFFF, v44;
	(erf) = vpow2.f32 v37  }
0x20f: {  	v36 =	vshll.u32 v44, $0x3  }
0x210: {  	v62 =	vand.u32 $0xFFFFFC00, v36  }
0x211: {  	v44 =	vand.u32 $0x7F, v44;
	v62 =	vadd.s32 v30, v62  }
0x212: {  	v44 =	vor.u32 v44, v62  }
0x213: {  	v44 =	vor.u32 v29, v44;
	_ =	sdelay $0x3  }
0x214: {  	v63 =	vpop (erf)  }
0x215: {  	v37 =	vld [tilespmem:s14+$0x2438];
	[tilespmem:v44+s10+$0x0] =	vst.idx.msk $0xffff, v63  }
0x216: {  	v44 =	vld [tilespmem:s15+$0x430];
	_ =	sdelay $0x1  }
0x217: {  	v63 =	vld [tilespmem:s15+$0x2430];
	_ =	sdelay $0x1  }
0x218: {  	v62 =	vadd.s32 $0xFFFFFFFF, v37  }
0x219: {  	v36 =	vshll.u32 v62, $0x3;
	v37 =	vmul.f32 $1.442695020e+00, v44  }
0x21a: {  	v62 =	vand.u32 $0x7F, v62;
	v36 =	vand.u32 $0xFFFFFC00, v36  }
0x21b: {  	v20 =	vadd.s32 v20, v36;
	(erf) = vpow2.f32 v37;
	v37 =	vadd.s32 $0xFFFFFFFF, v63  }
0x21c: {  	v20 =	vor.u32 v62, v20;
	v62 =	vshll.u32 v37, $0x3  }
0x21d: {  	v20 =	vor.u32 v21, v20;
	v63 =	vand.u32 $0xFFFFFC00, v62  }
0x21e: {  	v62 =	vand.u32 $0x7F, v37;
	v21 =	vadd.s32 v30, v63  }
0x21f: {  	v21 =	vor.u32 v62, v21  }
0x220: {  	v21 =	vor.u32 v29, v21;
	_ =	sdelay $0x1  }
0x221: {  	[tilespmem:v20+s10+$0x0] =	vst.idx.msk vm0, v61  }
0x222: {  	v63 =	vld [tilespmem:s14+$0x4438]  }
0x223: {  	v61 =	vpop (erf)  }
0x224: {  	[tilespmem:v21+s10+$0x0] =	vst.idx.msk $0xffff, v61;
	v21 =	vld [tilespmem:s14+$0x4430]  }
0x225: {  	v20 =	vld [tilespmem:s15+$0x438];
	_ =	sdelay $0x1  }
0x226: {  	v36 =	vsel vm1, $0x0, v63;
	v37 =	vld [tilespmem:s15+$0x2438]  }
0x227: {  	v36 =	vperm.xlane v36, v0;
	_ =	sdelay $0x1  }
0x228: {  	v61 =	vld [tilespmem:s14+$0x4420];
	(xrf2) =	vadd.scan.msk.f32 $0xffff, v36;
	v21 =	vperm.xlane v21, v0;
	v62 =	vmul.f32 $1.442695020e+00, v20;
	_ =	sdelay $0x1  }
0x229: {  	v37 =	vadd.s32 $0xFFFFFFFF, v37;
	(xrf2) =	vadd.scan.msk.f32 $0xffff, v21;
	(erf) = vpow2.f32 v62  }
0x22a: {  	v63 =	vshll.u32 v37, $0x3;
	v62 =	vld [tilespmem:s14+$0x4400]  }
0x22b: {  	v36 =	vld [tilespmem:s14+$0x4410];
	v21 =	vand.u32 $0xFFFFFC00, v63  }
0x22c: {  	v61 =	vperm.xlane v61, v0;
	v37 =	vand.u32 $0x7F, v37;
	v21 =	vadd.s32 v30, v21  }
0x22d: {  	v8 =	vadd.f32 v8, v26;
	v59 =	vadd.f32 v59, v59;
	v21 =	vor.u32 v37, v21  }
0x22e: {  	v27 =	vadd.f32 v27, v58;
	(xrf2) =	vadd.scan.msk.f32 $0xffff, v61;
	v21 =	vor.u32 v29, v21;
	v29 =	vld [tilespmem:s14+$0x4070]  }
0x22f: {  	v8 =	vadd.f32 v9, v8;
	v58 =	vld [tilespmem:s14+$0x4050];
	v61 =	vperm.xlane v62, v0  }
0x230: {  	v27 =	vsub.f32 v35, v27;
	v63 =	vperm.xlane v36, v0;
	v30 =	vld [tilespmem:s14+$0x4060]  }
0x231: {  	v42 =	vadd.f32 v59, v42;
	v8 =	vadd.f32 v10, v8;
	v35 =	vld [tilespmem:s14+$0x4040];
	v59, _, _ =	vpop (xrf2)  }
0x232: {  	v36 =	vld [tilespmem:s14+$0x4010];
	(xrf2) =	vadd.scan.msk.f32 $0xffff, v63;
	v63 =	vperm.xlane v59, v1;
	v62 =	vpop (erf)  }
0x233: {  	v40 =	vmul.f32 $6.931471820e-01, v40;
	v11 =	vadd.f32 v11, v8;
	v37 =	vld [tilespmem:s14+$0x4030];
	(xrf2) =	vadd.scan.msk.f32 $0xffff, v61;
	v29 =	vperm.xlane v29, v0;
	v61, _, _ =	vpop (xrf2)  }
0x234: {  	[tilespmem:v21+s10+$0x0] =	vst.idx.msk vm0, v62;
	v21 =	vld [tilespmem:s14+$0x4020];
	v9 =	vadd.f32 v61, v63;
	v63 =	vperm.xlane v58, v0  }
0x235: {  	v48 =	vadd.s32 v46, v48;
	v40 =	vadd.f32 v42, v40;
	v42 =	vld [tilespmem:s14+$0x4000];
	v30 =	vperm.xlane v30, v0  }
0x236: {  	v48 =	vadd.s32 v47, v48;
	v13 =	vadd.f32 v13, v11;
	(xrf2) =	vadd.scan.msk.f32 $0xffff, v29;
	v29 =	vld [tilespmem:s15+$0x4438]  }
0x237: {  	v62 =	vshrl.u32 v49, $0x17;
	v49 =	vperm.xlane v35, v0;
	(xrf2) =	vadd.scan.msk.f32 $0xffff, v30;
	v61 =	vperm.xlane v9, v1  }
0x238: {  	v50 =	vshrl.u32 v50, $0x17;
	v58 =	vperm.xlane v37, v0;
	v8 =	vadd.s32 v62, v48;
	v48 =	vld [tilespmem:s15+$0x4430];
	(xrf2) =	vadd.scan.msk.f32 $0xffff, v63;
	v63, _, _ =	vpop (xrf2)  }
0x239: {  	v36 =	vperm.xlane v36, v0;
	(xrf2) =	vadd.scan.msk.f32 $0xffff, v49;
	v21 =	vperm.xlane v21, v0;
	v37 =	vadd.f32 v63, v61  }
0x23a: {  	v62 =	vshrl.u32 v52, $0x17;
	v8 =	vadd.s32 v50, v8;
	v50 =	vperm.xlane v42, v0;
	(xrf2) =	vadd.scan.msk.f32 $0xffff, v58  }
0x23b: {  	v49 =	vshrl.u32 v55, $0x17;
	v52 =	vsel vm1, $0x0, v29;
	(xrf2) =	vadd.scan.msk.f32 $0xffff, v21;
	v55 =	vperm.xlane v37, v1  }
0x23c: {  	v61, _, _ =	vpop (xrf2);
	v21 =	vperm.xlane v52, v0;
	(xrf2) =	vadd.scan.msk.f32 $0xffff, v36  }
0x23d: {  	v13 =	vadd.f32 v14, v13;
	v10 =	vperm.xlane v48, v0;
	(xrf2) =	vadd.scan.msk.f32 $0xffff, v50;
	v29 =	vadd.f32 v61, v55  }
0x23e: {  	v26 =	vadd.s32 v62, v8;
	v8 =	vadd.f32 v40, v27;
	v27 =	vld [tilespmem:s15+$0x4420];
	v62 =	vshrl.u32 v51, $0x17;
	(xrf2) =	vadd.scan.msk.f32 $0xffff, v21  }
0x23f: {  	v58 =	vadd.s32 v49, v26;
	v63, _, _ =	vpop (xrf2);
	v50 =	vshrl.u32 v53, $0x17;
	v53 =	vperm.xlane v29, v1  }
0x240: {  	v3 =	vadd.f32 v3, v7;
	v46 =	vld [tilespmem:s15+$0x4070];
	v11 =	vadd.s32 v62, v58;
	v62 =	vadd.f32 $-1.000000000e+00, v56;
	v36, _, _ =	vpop (xrf2);
	(xrf2) =	vadd.scan.msk.f32 $0xffff, v10  }
0x241: {  	v13 =	vadd.f32 v15, v13;
	v26 =	vadd.s32 v50, v11;
	v10, _, _ =	vpop (xrf2);
	v11 =	vadd.f32 v63, v53  }
0x242: {  	v51 =	vshrl.u32 v57, $0x17;
	v58 =	vsel vm3, $0x3F800000, v2;
	v35 =	vmul.f32 v60, v62;
	v61 =	vld [tilespmem:s15+$0x4410];
	v47, _, _ =	vpop (xrf2)  }
0x243: {  	v52 =	vadd.s32 $0xFFFFFF81, v51;
	v27 =	vperm.xlane v27, v0;
	v30, _, _ =	vpop (xrf2);
	v56 =	vperm.xlane v11, v1  }
0x244: {  	v57 =	vcvt.s32.f32 v52;
	v55 =	vshrl.u32 v54, $0x17;
	v51 =	vmul.f32 v35, v35;
	v42, _, _ =	vpop (xrf2)  }
0x245: {  	v46 =	vperm.xlane v46, v0;
	v21 =	vadd.s32 v55, v26;
	(xrf2) =	vadd.scan.msk.f32 $0xffff, v27;
	v48, _, _ =	vpop (xrf2);
	v26 =	vadd.f32 v36, v56  }
0x246: {  	v14 =	vadd.f32 v57, v58;
	v57 =	vand.u32 $0x7FFFFF, v9;
	v58 =	vld [tilespmem:s15+$0x4400];
	v60 =	vmul.f32 $1.111111120e-01, v51;
	v50, _, _ =	vpop (xrf2)  }
0x247: {  	v63 =	vnsel vm1, $0x3F800000, v59;
	v59 =	vperm.xlane v61, v0;
	v52, _, _ =	vpop (xrf2);
	v61 =	vperm.xlane v26, v1  }
0x248: {  	v9 =	vshrl.u32 v9, $0x17;
	v55 =	vmul.f32 v51, v35;
	v53 =	vadd.f32 v18, v13;
	v54, _, _ =	vpop (xrf2)  }
0x249: {  	v40 =	vshrl.u32 v63, $0x17;
	(xrf2) =	vadd.scan.msk.f32 $0xffff, v59;
	v62 =	vperm.xlane v54, v1;
	v18 =	vadd.f32 v10, v61  }
0x24a: {  	v15 =	vadd.f32 $1.428571490e-01, v60;
	v49 =	vand.u32 $0x7FFFFF, v63;
	v40 =	vadd.s32 v9, v40;
	v60, _, _ =	vpop (xrf2)  }
0x24b: {  	v63 =	vperm.xlane v58, v0;
	v9 =	vadd.f32 v60, v62;
	v62 =	vperm.xlane v18, v1  }
0x24c: {  	v13 =	vor.u32 $0x3F800000, v57;
	v15 =	vmul.f32 v15, v51;
	v49 =	vor.u32 $0x3F800000, v49  }
0x24d: {  	v13 =	vmul.f32 v13, v49;
	v61 =	vand.u32 $0x7FFFFF, v29;
	(xrf2) =	vadd.scan.msk.f32 $0xffff, v63;
	v27 =	vadd.f32 v47, v62  }
0x24e: {  	v63 =	vand.u32 $0x7FFFFF, v11;
	v56 =	vor.u32 $0x3F800000, v61;
	v60 =	vld [tilespmem:s15+$0x4060];
	v61 =	vperm.xlane v9, v1  }
0x24f: {  	v36 =	vand.u32 $0x7FFFFF, v37;
	v59 =	vor.u32 $0x3F800000, v63;
	v62, _, _ =	vpop (xrf2);
	v63 =	vperm.xlane v27, v1  }
0x250: {  	v15 =	vadd.f32 $2.000000030e-01, v15;
	v36 =	vor.u32 $0x3F800000, v36;
	v10 =	vadd.f32 v62, v61  }
0x251: {  	v37 =	vshrl.u32 v37, $0x17;
	v36 =	vmul.f32 v36, v13;
	(xrf2) =	vadd.scan.msk.f32 $0xffff, v46;
	v30 =	vadd.f32 v30, v63  }
0x252: {  	v37 =	vadd.s32 v37, v40;
	v40 =	vld [tilespmem:s15+$0x4050];
	v15 =	vmul.f32 v15, v51;
	v58 =	vperm.xlane v10, v1  }
0x253: {  	v16 =	vadd.f32 v16, v53;
	v60 =	vperm.xlane v60, v0;
	v61, _, _ =	vpop (xrf2);
	v63 =	vperm.xlane v30, v1  }
0x254: {  	v29 =	vshrl.u32 v29, $0x17;
	v62 =	vmul.f32 v56, v36;
	v13 =	vadd.f32 v61, v58  }
0x255: {  	v49 =	vadd.f32 $3.333333430e-01, v15;
	v46 =	vadd.s32 v29, v37;
	(xrf2) =	vadd.scan.msk.f32 $0xffff, v60;
	v42 =	vadd.f32 v42, v63  }
0x256: {  	v51 =	vld [tilespmem:s15+$0x4040];
	v56 =	vand.u32 $0x7FFFFF, v26;
	v29 =	vmul.f32 v59, v62;
	v57 =	vperm.xlane v13, v1  }
0x257: {  	v37 =	vor.u32 $0x3F800000, v56;
	v56 =	vld [tilespmem:s15+$0x4030];
	v59, _, _ =	vpop (xrf2);
	v58 =	vperm.xlane v40, v0;
	v62 =	vperm.xlane v42, v1  }
0x258: {  	v60 =	vand.u32 $0x7FFFFF, v18;
	v61 =	vmul.f32 v37, v29;
	v15 =	vadd.f32 v59, v57  }
0x259: {  	v53 =	vadd.f32 v22, v16;
	v16 =	vor.u32 $0x3F800000, v60;
	(xrf2) =	vadd.scan.msk.f32 $0xffff, v58;
	v47 =	vadd.f32 v48, v62  }
0x25a: {  	v3 =	vadd.f32 v4, v3;
	v22 =	vmul.f32 v16, v61;
	v40 =	vperm.xlane v15, v1  }
0x25b: {  	v63 =	vand.u32 $0x7FFFFF, v27;
	v57 =	vperm.xlane v51, v0;
	v58, _, _ =	vpop (xrf2);
	v60 =	vperm.xlane v47, v1  }
0x25c: {  	v36 =	vor.u32 $0x3F800000, v63;
	v63 =	vld [tilespmem:s15+$0x4020];
	v37 =	vperm.xlane v56, v0;
	v16 =	vadd.f32 v58, v40  }
0x25d: {  	v56 =	vld [tilespmem:s15+$0x4010];
	v51 =	vmul.f32 v49, v55;
	v59 =	vand.u32 $0x7FFFFF, v30;
	v22 =	vmul.f32 v36, v22;
	(xrf2) =	vadd.scan.msk.f32 $0xffff, v57  }
0x25e: {  	v49 =	vnsel vm1, $0x3F800000, v54;
	v61 =	vor.u32 $0x3F800000, v59;
	v59 =	vperm.xlane v16, v1  }
0x25f: {  	v62 =	vand.u32 $0x7FFFFF, v42;
	v54 =	vand.u32 $0x7FFFFF, v49;
	v36 =	vadd.f32 v50, v60;
	v60, _, _ =	vpop (xrf2)  }
0x260: {  	v29 =	vmul.f32 v61, v22;
	v54 =	vor.u32 $0x3F800000, v54;
	v22 =	vadd.f32 v60, v59  }
0x261: {  	v61 =	vand.u32 $0x7FFFFF, v47;
	v48 =	vperm.xlane v63, v0;
	v63 =	vand.u32 $0x7FFFFF, v9;
	(xrf2) =	vadd.scan.msk.f32 $0xffff, v37  }
0x262: {  	v56 =	vperm.xlane v56, v0;
	v40 =	vor.u32 $0x3F800000, v62;
	v62 =	vperm.xlane v22, v1  }
0x263: {  	v57 =	vor.u32 $0x3F800000, v63;
	v63 =	vand.u32 $0x7FFFFF, v13;
	v40 =	vmul.f32 v40, v29;
	v60, _, _ =	vpop (xrf2)  }
0x264: {  	v50 =	vor.u32 $0x3F800000, v61;
	v61 =	vand.u32 $0x7FFFFF, v10;
	v29 =	vadd.f32 v60, v62  }
0x265: {  	v54 =	vmul.f32 v57, v54;
	v55 =	vperm.xlane v36, v1;
	v37 =	vand.u32 $0x7FFFFF, v36;
	(xrf2) =	vadd.scan.msk.f32 $0xffff, v48  }
0x266: {  	v50 =	vmul.f32 v50, v40;
	v40 =	vor.u32 $0x3F800000, v61;
	v48 =	vld [tilespmem:s15+$0x4000];
	v62 =	vperm.xlane v29, v1  }
0x267: {  	v61 =	vor.u32 $0x3F800000, v63;
	v54 =	vmul.f32 v40, v54;
	v52 =	vadd.f32 v52, v55;
	v60, _, _ =	vpop (xrf2)  }
0x268: {  	v37 =	vor.u32 $0x3F800000, v37;
	v40 =	vadd.f32 v60, v62;
	v62 =	vand.u32 $0x7FFFFF, v15  }
0x269: {  	v37 =	vmul.f32 v37, v50;
	v54 =	vmul.f32 v61, v54;
	v63 =	vand.u32 $0x7FFFFF, v52;
	(xrf2) =	vadd.scan.msk.f32 $0xffff, v56  }
0x26a: {  	v61 =	vand.u32 $0x7FFFFF, v16;
	v55 =	vor.u32 $0x3F800000, v63;
	v60 =	vperm.xlane v40, v1  }
0x26b: {  	v57 =	vperm.xlane v48, v0;
	v37 =	vmul.f32 v55, v37;
	v50 =	vor.u32 $0x3F800000, v62;
	v62, _, _ =	vpop (xrf2)  }
0x26c: {  	v50 =	vmul.f32 v50, v54;
	v48 =	vadd.f32 v62, v60;
	v60 =	vand.u32 $0x7FFFFF, v22  }
0x26d: {  	v3 =	vadd.f32 v5, v3;
	v51 =	vadd.f32 v51, v35;
	v63 =	vor.u32 $0x3F800000, v61;
	(xrf2) =	vadd.scan.msk.f32 $0xffff, v57  }
0x26e: {  	v55 =	vand.u32 $0x7FFFFF, v37;
	v50 =	vmul.f32 v63, v50;
	v62 =	vperm.xlane v48, v1  }
0x26f: {  	v55 =	vor.u32 $0x3F800000, v55;
	v63 =	vand.u32 $0x7FFFFF, v29;
	v61 =	vor.u32 $0x3F800000, v60;
	v60, _, _ =	vpop (xrf2)  }
0x270: {  	v50 =	vmul.f32 v61, v50;
	v35 =	vadd.f32 v60, v62;
	v62 =	vand.u32 $0x7FFFFF, v40  }
0x271: {  	v3 =	vadd.f32 v6, v3;
	v56 =	vor.u32 $0x3F800000, v63;
	v61 =	vmul.f32 $5.000000000e-01, v55  }
0x272: {  	vm3 =	vgt.f32 v55, $1.414213540e+00;
	v50 =	vmul.f32 v56, v50;
	v60 =	vperm.xlane v35, v1  }
0x273: {  	v3 =	vadd.f32 v12, v3;
	v54 =	vsel vm3, v61, v55;
	v63 =	vor.u32 $0x3F800000, v62;
	v62, _, _ =	vpop (xrf2)  }
0x274: {  	v61 =	vand.u32 $0x7FFFFF, v48;
	v50 =	vmul.f32 v63, v50;
	v56 =	vadd.f32 v62, v60  }
0x275: {  	v3 =	vadd.f32 v19, v3;
	v55 =	vor.u32 $0x3F800000, v61  }
0x276: {  	v59 =	vand.u32 $0x7FFFFF, v35;
	v50 =	vmul.f32 v55, v50;
	v60 =	vperm.xlane v56, v1  }
0x277: {  	v3 =	vadd.f32 v23, v3;
	v63 =	vadd.f32 $1.000000000e+00, v54;
	v55 =	vor.u32 $0x3F800000, v59;
	v61, _, _ =	vpop (xrf2)  }
0x278: {  	v50 =	vmul.f32 v55, v50;
	v62 =	vand.u32 $0x7FFFFF, v56;
	v55 =	vadd.f32 v61, v60  }
0x279: {  	v3 =	vadd.f32 v25, v3;
	v21 =	vadd.s32 $0xFFFFF98D, v21;
	v57 =	vor.u32 $0x3F800000, v62  }
0x27a: {  	(erf) = vrcp.f32 v63;
	v63 =	vmul.f32 v57, v50;
	v57 =	vand.u32 $0x7FFFFF, v55  }
0x27b: {  	v21 =	vcvt.s32.f32 v21;
	v50 =	vor.u32 $0x3F800000, v57  }
0x27c: {  	v3 =	vadd.f32 v28, v3;
	v32 =	vadd.f32 v32, v53;
	v4 =	vmul.f32 v50, v63  }
0x27d: {  	v45 =	vsel vm1, $0x0, v45;
	v14 =	vmul.f32 $6.931471820e-01, v14;
	v7 =	vmul.f32 $6.931471820e-01, v21  }
0x27e: {  	v11 =	vshrl.u32 v11, $0x17;
	v8 =	vsub.f32 v8, v32;
	v59 =	vand.u32 $0x7FFFFF, v4  }
0x27f: {  	v26 =	vshrl.u32 v26, $0x17;
	v58 =	vadd.s32 v11, v46;
	v11 =	vor.u32 $0x3F800000, v59  }
0x280: {  	v21 =	vshrl.u32 v49, $0x17;
	v9 =	vshrl.u32 v9, $0x17;
	v62 =	vmul.f32 $5.000000000e-01, v11  }
0x281: {  	v51 =	vadd.f32 v51, v51;
	v46 =	vsel vm3, $0x3F800000, v2;
	vm3 =	vgt.f32 v11, $1.414213540e+00  }
0x282: {  	v18 =	vshrl.u32 v18, $0x17;
	v9 =	vadd.s32 v9, v21;
	v11 =	vsel vm3, v62, v11  }
0x283: {  	v5 =	vadd.s32 v26, v58;
	v14 =	vadd.f32 v51, v14;
	v26 =	vadd.f32 $1.000000000e+00, v11  }
0x284: {  	v13 =	vshrl.u32 v13, $0x17;
	v10 =	vshrl.u32 v10, $0x17;
	v5 =	vadd.s32 v18, v5  }
0x285: {  	v9 =	vadd.s32 v10, v9;
	v7 =	vadd.f32 v14, v7;
	v50 =	vpop (erf);
	(erf) = vrcp.f32 v26  }
0x286: {  	v51 =	vshrl.u32 v42, $0x17;
	v32 =	vshrl.u32 v16, $0x17;
	v9 =	vadd.s32 v13, v9  }
0x287: {  	v7 =	vadd.f32 v7, v8;
	v42 =	vshrl.u32 v22, $0x17;
	v58 =	vshrl.u32 v37, $0x17  }
0x288: {  	v60 =	vshrl.u32 v27, $0x17;
	v61 =	vadd.f32 $-1.000000000e+00, v54;
	v27 =	vadd.f32 v24, v17  }
0x289: {  	v54 =	vshrl.u32 v47, $0x17;
	v5 =	vadd.s32 v60, v5;
	v60 =	vadd.s32 $0xFFFFFF81, v58  }
0x28a: {  	v47 =	vshrl.u32 v29, $0x17;
	v12 =	vcvt.s32.f32 v60;
	v31 =	vadd.f32 v31, v27  }
0x28b: {  	v55 =	vshrl.u32 v55, $0x17;
	v63 =	vshrl.u32 v30, $0x17;
	v18 =	vmul.f32 v50, v61  }
0x28c: {  	v57 =	vshrl.u32 v36, $0x17;
	v12 =	vadd.f32 v12, v46;
	v5 =	vadd.s32 v63, v5  }
0x28d: {  	v36 =	vld [tilespmem:$0x1FFE0];
	v5 =	vadd.s32 v51, v5;
	v53 =	vmul.f32 v18, v18;
	v11 =	vadd.f32 $-1.000000000e+00, v11  }
0x28e: {  	v63 =	vmul.f32 $6.931471820e-01, v12;
	v12 =	vadd.f32 v33, v31;
	v51 =	vshrl.u32 v48, $0x17;
	v25 =	vpop (erf)  }
0x28f: {  	v4 =	vshrl.u32 v4, $0x17;
	v59 =	vmul.f32 $1.111111120e-01, v53;
	v11 =	vmul.f32 v25, v11  }
0x290: {  	v5 =	vadd.s32 v54, v5;
	v61 =	vshrl.u32 v52, $0x17;
	v50 =	vshrl.u32 v40, $0x17  }
0x291: {  	v49 =	vld [tilespmem:$0x1FFF0];
	v52 =	vshrl.u32 v35, $0x17;
	v26 =	vadd.f32 $1.428571490e-01, v59;
	v30 =	vmul.f32 v11, v11  }
0x292: {  	v4 =	vadd.s32 $0xFFFFFF81, v4;
	v5 =	vadd.s32 v57, v5;
	v3 =	vadd.f32 v36, v3  }
0x293: {  	v12 =	vadd.f32 v34, v12;
	v62 =	vmul.f32 v26, v53;
	v37 =	vmul.f32 $1.111111120e-01, v30  }
0x294: {  	v4 =	vcvt.s32.f32 v4;
	v5 =	vadd.s32 v61, v5;
	v3 =	vadd.f32 v45, v3  }
0x295: {  	v5 =	vadd.s32 $0xFFFFF98D, v5;
	v14 =	vadd.f32 $2.000000030e-01, v62;
	v46 =	vadd.f32 $1.428571490e-01, v37  }
0x296: {  	v12 =	vadd.f32 v49, v12;
	v5 =	vcvt.s32.f32 v5;
	v23 =	vmul.f32 v53, v18  }
0x297: {  	v26 =	vshrl.u32 v15, $0x17;
	v6 =	vmul.f32 v14, v53;
	v14 =	vmul.f32 v46, v30  }
0x298: {  	v12 =	vadd.f32 v38, v12;
	v3 =	vsub.f32 v7, v3;
	v9 =	vadd.s32 v26, v9  }
0x299: {  	v9 =	vadd.s32 v32, v9;
	v6 =	vadd.f32 $3.333333430e-01, v6;
	v14 =	vadd.f32 $2.000000030e-01, v14  }
0x29a: {  	v5 =	vmul.f32 $6.931471820e-01, v5;
	v12 =	vadd.f32 v39, v12;
	v9 =	vadd.s32 v42, v9  }
0x29b: {  	v9 =	vadd.s32 v47, v9;
	v6 =	vmul.f32 v6, v23;
	v14 =	vmul.f32 v14, v30  }
0x29c: {  	v12 =	vadd.f32 v41, v12;
	v62 =	vsel vm1, $0x0, v20;
	v9 =	vadd.s32 v50, v9  }
0x29d: {  	v6 =	vadd.f32 v6, v18;
	v10 =	vmul.f32 v30, v11;
	v54 =	vadd.f32 $3.333333430e-01, v14  }
0x29e: {  	v53 =	vshrl.u32 v56, $0x17;
	v56 =	vsel vm3, $0x3F800000, v2;
	v9 =	vadd.s32 v51, v9  }
0x29f: {  	v9 =	vadd.s32 v52, v9;
	v6 =	vadd.f32 v6, v6;
	v10 =	vmul.f32 v54, v10  }
0x2a0: {  	v58 =	vadd.f32 v43, v12;
	v4 =	vadd.f32 v4, v56;
	v9 =	vadd.s32 v53, v9  }
0x2a1: {  	v57 =	vadd.s32 v55, v9;
	v6 =	vadd.f32 v6, v63;
	v10 =	vadd.f32 v10, v11  }
0x2a2: {  	v60 =	vadd.f32 v44, v58;
	v4 =	vmul.f32 $6.931471820e-01, v4;
	v8 =	vadd.s32 $0xFFFFF98D, v57  }
0x2a3: {  	v59 =	vcvt.s32.f32 v8;
	v5 =	vadd.f32 v6, v5;
	v61 =	vadd.f32 v10, v10  }
0x2a4: {  	v63 =	vadd.f32 v62, v60  }
0x2a5: {  	v6 =	vmul.f32 $6.931471820e-01, v59;
	v3 =	vadd.f32 v5, v3;
	v4 =	vadd.f32 v61, v4;
	_ =	sdelay $0x1  }
0x2a6: {  	v3 =	vsub.f32 v3, v63;
	v4 =	vadd.f32 v4, v6;
	_ =	sdelay $0x1  }
0x2a7: {  	v3 =	vadd.f32 v4, v3;
	_ =	sdelay $0x1  }
0x2a8: {  	(xrf2) =	vadd.scan.msk.f32 $0xffff, v3;
	_ =	sdelay $0x9  }
0x2a9: {  	v3, _, _ =	vpop (xrf2)  }
0x2aa: {  	v3 =	vmul.f32 $4.882812390e-06, v3  }
0x2ab: {  	s13 =	sadd.s32 $0x1, s13  }
0x2ac: {  	p0 =	sne.s32 s13, s6;
	v3 =	vsel vm2, $0x0, v3  }
.Ltmp1:
0x2ad: {  	[tilespmem:$0x6000] =	vst v3;
	(pc) =	sbr.rel @p0 .LBB2_1-.Ltmp1, $4  }
0x2ae: {  	[hbm4b:s5+s2] =	stream.linear.scatter [tilespmem:s11], [sflag:$0x3], $0x80, $0x38;
	[tilespmem:$0x6080] =	vst v63  }
0x2af: {  	_ =	swait.ge [sflag:s12], $0x80  }
0x2b0: {  	[sflag:s12] =	ssyncset.done $0x0  }
0x2b1: {  	[sflag:s12] =	ssyncadd.s32 $0xFFFFFF80  }
0x2b2: {  	_ =	sfence.sel $0x180000  }
0x2b3: {  	[bflag:$0x0] =	sbarrier.arrive $0xFFFF  }
0x2b4: {  	p0 =	sne.s32 s1, $0x0;
	_ =	strace $0x90000047  }
0x2b5: {  	s0 =	sadd.s32 @!p0 $0x100000, s0;
	[bflag:$0x2] =	sbarrier.arrive $0xFFFF  }
0x2b6: {  	[sflag:s0] =	ssyncadd.tile.s32 @!p0 $0x1;
	_ =	shalt  }
.Lfunc_end2:
_tile_overlayer_lowered:
.L_overlay_start_2:
0x2b7: {  	(tag) =	ssettag $0x2  }
0x2b8: {  	s0 =	rddreg [dreg:$0x0];
	s2 =	stileid.u32  }
0x2b9: {  	s1 =	rddreg [dreg:$0x1];
	p0 =	sne.s32 s2, $0x0  }
0x2ba: {  	s3 =	rddreg [dreg:$0x2];
	[bflag:$0x3] =	sbarrier.arrive $0xFFFF;
	s2 =	simm.s32 @!p0 $0x1C03  }
0x2bb: {  	[timem:s3], [sflag:s2] =	dma.local @!p0 [hbm:s0], s1  }
0x2bc: {  	s0 =	simm.s32 @!p0 $0x3  }
0x2bd: {  	_ =	swait.ge @!p0 [sflag:s0], s1  }
0x2be: {  	s1 =	ssub.s32 @!p0 $0x0, s1;
	[sflag:s0] =	ssyncset.done @!p0 $0x0  }
0x2bf: {  	[sflag:s0] =	ssyncadd.s32 @!p0 s1  }
0x2c0: {  	[bflag:$0x3] =	sbarrier.arrive $0xFFFF  }
0x2c1: {  	_ =	shalt  }

</sc_bundles>
